<compile_context>
chip_gen: v7x
topology: tpu7x:2x2x1
jax: 0.10.2.dev20260603
libtpu: 0.0.44.dev20260713+nightly
codegen_flags: <defaults>
</compile_context>

<pallas_src>
import functools

import jax
import jax.numpy as jnp
from jax import lax
from jax.experimental import pallas as pl
from jax.experimental.pallas import tpu as pltpu
from jax.experimental.pallas import tpu_sc as plsc

_NC = 2
_NS = 16


_NBUF = 4


def _sc_agg_body(npad, dh, nchunk, chunk, x_hbm, src_hbm, dst_hbm, out_hbm,
                 idx_s, idx_d, rows, zbuf, acc, *sems):
    c = lax.axis_index("c")
    s = lax.axis_index("s")
    rpt = npad // _NS
    zrows = zbuf.shape[0]
    gsem = sems[:_NBUF]
    ssem = sems[_NBUF:]
    x_lin = x_hbm

    def zero_row(i, carry):
        for l in range(dh // 16):
            zbuf[i, pl.ds(l * 16, 16)] = jnp.zeros((16,), jnp.float32)
        return carry
    lax.fori_loop(0, zrows, zero_row, 0)
    for j in range(rpt // zrows):
        pltpu.sync_copy(zbuf, acc.at[pl.ds(s * rpt + j * zrows, zrows)])

    pltpu.sync_copy(src_hbm.at[c, s], idx_s)
    pltpu.sync_copy(dst_hbm.at[s], idx_d)

    def start_gather(k, b):
        pltpu.async_copy(x_lin.at[idx_s.at[k]], rows.at[b], gsem[b])

    def wait_gather(b):
        pltpu.make_async_copy(x_lin.at[pl.ds(0, chunk)],
                              rows.at[b], gsem[b]).wait()

    def start_scatter(k, b):
        pltpu.async_copy(rows.at[b], acc.at[idx_d.at[k]], ssem[b], add=True)

    def wait_scatter(b):
        pltpu.make_async_copy(rows.at[b], acc.at[pl.ds(0, chunk)],
                              ssem[b]).wait()

    for b in range(_NBUF):
        start_gather(b, b)
    plsc.subcore_barrier()

    def outer(k, carry):
        a0 = _NBUF * k
        for b in range(_NBUF):
            wait_gather(b)
            start_scatter(a0 + b, b)
        for b in range(_NBUF):
            wait_scatter(b)
            start_gather(a0 + _NBUF + b, b)
        return carry
    lax.fori_loop(0, nchunk // _NBUF - 1, outer, 0)

    for b in range(_NBUF):
        wait_gather(b)
        start_scatter(nchunk - _NBUF + b, b)
    for b in range(_NBUF):
        wait_scatter(b)
    plsc.subcore_barrier()

    pltpu.sync_copy(acc.at[pl.ds(s * rpt, rpt)],
                    out_hbm.at[pl.ds(s * rpt, rpt), pl.ds(c * dh, dh)])


def _sc_aggregate(x2, src2, dst):
    n2, dh = x2.shape
    n = n2 // 2
    e = dst.shape[0]
    npad = -(-n // (128 * _NS)) * (128 * _NS)
    ept = e // _NS
    chunk = 125
    nchunk = ept // chunk
    src_r = src2.reshape(_NC, _NS, nchunk, chunk)
    dst_r = dst.reshape(_NS, nchunk, chunk)
    mesh = plsc.VectorSubcoreMesh(core_axis_name="c", subcore_axis_name="s")
    return pl.kernel(
        functools.partial(_sc_agg_body, npad, dh, nchunk, chunk),
        out_type=jax.ShapeDtypeStruct((npad, 2 * dh), jnp.float32),
        mesh=mesh,
        scratch_types=[
            pltpu.VMEM((nchunk, chunk), jnp.int32),
            pltpu.VMEM((nchunk, chunk), jnp.int32),
            pltpu.VMEM((_NBUF, chunk, dh), jnp.float32),
            pltpu.VMEM((128, dh), jnp.float32),
            pltpu.VMEM_SHARED((npad, dh), jnp.float32),
        ] + [pltpu.SemaphoreType.DMA] * (2 * _NBUF),
        compiler_params=pltpu.CompilerParams(use_tc_tiling_on_sc=False),
    )(x2, src_r, dst_r)


def _tc_body(nblk, blk, x_ref, a_ref, wl_ref, bl_ref, w1_ref,
             w2_ref, w3_ref, b3_ref, ep_ref, g1_ref, be1_ref, g2_ref,
             be2_ref, o_ref, h1_s, h2_s, s1, q1, s2, q2, co1, co2):
    p = pl.program_id(0)
    i = pl.program_id(1)
    n = nblk * blk

    def bdot(a, b):
        return jnp.dot(a, b, preferred_element_type=jnp.float32)

    def stats_accum(v, s_ref, q_ref):
        s = jnp.sum(v, axis=0, keepdims=True)
        q = jnp.sum(v * v, axis=0, keepdims=True)

        @pl.when(i == 0)
        def _():
            s_ref[...] = s
            q_ref[...] = q

        @pl.when(i != 0)
        def _():
            s_ref[...] += s
            q_ref[...] += q

    def bn_coeffs(s_ref, q_ref, g_ref, b_ref, co_ref):
        mean = s_ref[...] / n
        var = q_ref[...] / n - mean * mean
        scale = g_ref[...][None, :] / jnp.sqrt(var + 1e-5)
        co_ref[0:1, :] = scale
        co_ref[1:2, :] = b_ref[...][None, :] - mean * scale

    @pl.when(p == 0)
    def _():
        xb = x_ref[...]
        t = ep_ref[0, 0] * xb + a_ref[...]
        hh = bdot(xb, wl_ref[...])
        hh = hh + bl_ref[...][None, :] + jnp.concatenate([t, t], axis=-1)
        h1 = bdot(hh, w1_ref[...])
        h1_s[pl.ds(i * blk, blk), :] = h1
        stats_accum(h1, s1, q1)

    @pl.when(p == 1)
    def _():
        @pl.when(i == 0)
        def _():
            bn_coeffs(s1, q1, g1_ref, be1_ref, co1)
        h1 = h1_s[pl.ds(i * blk, blk), :]
        a = jnp.maximum(h1 * co1[0:1, :] + co1[1:2, :], 0.0)
        h2 = bdot(a, w2_ref[...])
        h2_s[pl.ds(i * blk, blk), :] = h2
        stats_accum(h2, s2, q2)

    @pl.when(p == 2)
    def _():
        @pl.when(i == 0)
        def _():
            bn_coeffs(s2, q2, g2_ref, be2_ref, co2)
        h2 = h2_s[pl.ds(i * blk, blk), :]
        a = jnp.maximum(h2 * co2[0:1, :] + co2[1:2, :], 0.0)
        o_ref[...] = bdot(a, w3_ref[...]) + b3_ref[...][None, :]


def kernel(x, edge_index, lin_W, lin_b, eps, W1, g1, b1, W2, g2, b2, W3, b3):
    n, d = x.shape
    h = lin_W.shape[1]
    dh = d // 2
    src2 = jnp.stack([edge_index[0] * 2, edge_index[0] * 2 + 1])
    agg2 = _sc_aggregate(x.reshape(2 * n, dh), src2, edge_index[1])

    blk = 1000
    nblk = n // blk
    grid = (3, nblk)
    epp1 = (1.0 + eps).reshape(1, 1).astype(jnp.float32)

    def full(shape):
        return pl.BlockSpec(shape, lambda p, i: (0,) * len(shape))

    def rows_spec(cols):
        return pl.BlockSpec((blk, cols),
                            lambda p, i: (jnp.where(p == 0, i, 0), 0))

    out_spec = pl.BlockSpec((blk, d), lambda p, i: (jnp.where(p == 2, i, 0), 0))

    vec_h = full((h,))
    out = pl.pallas_call(
        functools.partial(_tc_body, nblk, blk),
        grid=grid,
        in_specs=[rows_spec(d), rows_spec(d), full((d, h)),
                  vec_h, full((h, h)), full((h, h)), full((h, d)),
                  full((d,)), full((1, 1)), vec_h, vec_h, vec_h, vec_h],
        out_specs=out_spec,
        out_shape=jax.ShapeDtypeStruct((n, d), jnp.float32),
        scratch_shapes=[
            pltpu.VMEM((n, h), jnp.float32),
            pltpu.VMEM((n, h), jnp.float32),
            pltpu.VMEM((1, h), jnp.float32),
            pltpu.VMEM((1, h), jnp.float32),
            pltpu.VMEM((1, h), jnp.float32),
            pltpu.VMEM((1, h), jnp.float32),
            pltpu.VMEM((2, h), jnp.float32),
            pltpu.VMEM((2, h), jnp.float32),
        ],
    )(x, agg2, lin_W, lin_b, W1, W2, W3, b3, epp1, g1, b1, g2, b2)
    return out

# --- scband reference (transcript-rebuilt; emitter-appended) ---
"""Pipeline reference for scband-gin-p1-56994216018160 (READ-ONLY COPY).

The authoritative reference and input builder live on the scoring server;
editing this copy changes nothing except your own understanding.
"""

import jax, jax.numpy as jnp
import numpy as np


def _bn(h, gamma, beta, eps=1e-5):
    mean = jnp.mean(h, axis=0, keepdims=True)
    var = jnp.var(h, axis=0, keepdims=True)
    return (h - mean) / jnp.sqrt(var + eps) * gamma + beta


def setup_inputs(seed: int = 0) -> dict:
    key = jax.random.key(seed)
    ks = jax.random.split(key, 8)
    N, D = 10000, 128
    E = 320000
    H = 2 * D  # 256
    x = jax.random.normal(ks[0], (N, D), dtype=jnp.float32)
    edge_index = jax.random.randint(ks[1], (2, E), 0, N, dtype=jnp.int32)
    # lin: Linear(D, 2D) with bias
    lin_W = jax.random.normal(ks[2], (D, H), dtype=jnp.float32) / np.sqrt(D)
    lin_b = jnp.zeros((H,), dtype=jnp.float32)
    eps = jnp.array(0.0, dtype=jnp.float32)
    # MLP: Linear(H,H,no bias) -> BN -> ReLU -> Linear(H,H,no bias) -> BN -> ReLU -> Linear(H,D,bias)
    W1 = jax.random.normal(ks[3], (H, H), dtype=jnp.float32) / np.sqrt(H)
    g1 = jnp.ones((H,), dtype=jnp.float32)
    b1 = jnp.zeros((H,), dtype=jnp.float32)
    W2 = jax.random.normal(ks[4], (H, H), dtype=jnp.float32) / np.sqrt(H)
    g2 = jnp.ones((H,), dtype=jnp.float32)
    b2 = jnp.zeros((H,), dtype=jnp.float32)
    W3 = jax.random.normal(ks[5], (H, D), dtype=jnp.float32) / np.sqrt(H)
    b3 = jnp.zeros((D,), dtype=jnp.float32)
    return {"x": x, "edge_index": edge_index, "lin_W": lin_W, "lin_b": lin_b,
            "eps": eps, "W1": W1, "g1": g1, "b1": b1, "W2": W2, "g2": g2,
            "b2": b2, "W3": W3, "b3": b3}


def reference(x, edge_index, lin_W, lin_b, eps, W1, g1, b1, W2, g2, b2, W3, b3):
    # ptensors1 with singleton reference domains (atoms = nodes).
    src = edge_index[0]
    dst = edge_index[1]
    # transfer1 along G: gather neighbor messages (scatter-add over dst);
    # 1st-order transfer doubles channels (broadcast-of-sum map + identity map,
    # identical for singleton domains).
    agg = jnp.zeros_like(x).at[dst].add(x[src])
    x_transfer = jnp.concatenate([agg, agg], axis=-1)
    # linmaps1: [identity, broadcast of per-domain sum]; for singleton domains both = x.
    x_linmaps = jnp.concatenate([x, x], axis=-1)
    h = (x @ lin_W + lin_b) + (1.0 + eps) * x_linmaps + x_transfer
    # MLP with BatchNorm (training-mode batch statistics) and ReLU
    h = _bn(h @ W1, g1, b1)
    h = jnp.maximum(h, 0.0)
    h = _bn(h @ W2, g2, b2)
    h = jnp.maximum(h, 0.0)
    h = h @ W3 + b3
    return h

if __name__ == "__main__":
    import jax
    _d = setup_inputs()
    print(jax.jit(kernel)(*tuple(_d.values())))

</pallas_src>

<mosaic_0001>
#map = affine_map<(d0, d1) -> (0, 0)>
#map1 = affine_map<(d0, d1) -> (0, 0, 0, 0)>
#map2 = affine_map<(d0, d1) -> (0, 0, 0)>
module attributes {stable_mosaic.version = 14 : i64} {
  func.func @_sc_agg_body(%arg0: i32, %arg1: i32, %arg2: memref<20000x64xf32, #tpu.memory_space<hbm>>, %arg3: memref<2x16x160x125xi32, #tpu.memory_space<hbm>>, %arg4: memref<16x160x125xi32, #tpu.memory_space<hbm>>, %arg5: memref<10240x128xf32, #tpu.memory_space<hbm>>, %arg6: memref<160x125xi32, #tpu.memory_space<vmem>>, %arg7: memref<160x125xi32, #tpu.memory_space<vmem>>, %arg8: memref<4x125x64xf32, #tpu.memory_space<vmem>>, %arg9: memref<128x64xf32, #tpu.memory_space<vmem>>, %arg10: memref<10240x64xf32, #tpu.memory_space<vmem_shared>>, %arg11: memref<!tpu.dma_semaphore, #tpu.memory_space<semaphore_mem>>, %arg12: memref<!tpu.dma_semaphore, #tpu.memory_space<semaphore_mem>>, %arg13: memref<!tpu.dma_semaphore, #tpu.memory_space<semaphore_mem>>, %arg14: memref<!tpu.dma_semaphore, #tpu.memory_space<semaphore_mem>>, %arg15: memref<!tpu.dma_semaphore, #tpu.memory_space<semaphore_mem>>, %arg16: memref<!tpu.dma_semaphore, #tpu.memory_space<semaphore_mem>>, %arg17: memref<!tpu.dma_semaphore, #tpu.memory_space<semaphore_mem>>, %arg18: memref<!tpu.dma_semaphore, #tpu.memory_space<semaphore_mem>>) attributes {dimension_semantics = [#tpu.dimension_semantics<core_parallel>, #tpu.dimension_semantics<subcore_parallel>], iteration_bounds = array<i64: 2, 16>, scalar_prefetch = 0 : i64, scratch_operands = 13 : i64, tpu.core_type = #tpu.core_type<sc_vector_subcore>, window_params = [{transform_indices = #map}, {transform_indices = #map1}, {transform_indices = #map2}, {transform_indices = #map}]} {
    %scan3A = arith.constant 0 : i32
    %scan3A_0 = arith.constant 0 : i32
    %scan3A_1 = arith.constant 128 : i32
    %scan3A_2 = arith.addi %scan3A_0, %scan3A_1 : i32
    %scan3A_3 = arith.constant 1 : i32
    scf.for %scan3A_250 = %scan3A_0 to %scan3A_2 step %scan3A_3  : i32 {
      %broadcast_in_dim3A = arith.constant 0.000000e+00 : f32
      %broadcast_in_dim3A_251 = vector.broadcast %broadcast_in_dim3A : f32 to vector<16xf32>
      %swap3A = arith.index_cast %scan3A_250 : i32 to index
      %swap3A_252 = arith.constant 0 : index
      %swap3A_253 = tpu.vector_load %arg9[%swap3A, %swap3A_252] {strides = array<i32>} : memref<128x64xf32, #tpu.memory_space<vmem>>, vector<1x16xf32>,
      %swap3A_254 = vector.shape_cast %swap3A_253 : vector<1x16xf32> to vector<16xf32>
      %swap3A_255 = vector.shape_cast %broadcast_in_dim3A_251 : vector<16xf32> to vector<1x16xf32>
      tpu.vector_store %arg9[%swap3A, %swap3A_252], %swap3A_255 {strides = array<i32>} : memref<128x64xf32, #tpu.memory_space<vmem>>, vector<1x16xf32>,
      %broadcast_in_dim3A_256 = arith.constant 0.000000e+00 : f32
      %broadcast_in_dim3A_257 = vector.broadcast %broadcast_in_dim3A_256 : f32 to vector<16xf32>
      %swap3A_258 = arith.index_cast %scan3A_250 : i32 to index
      %swap3A_259 = arith.constant 16 : index
      %swap3A_260 = tpu.vector_load %arg9[%swap3A_258, %swap3A_259] {strides = array<i32>} : memref<128x64xf32, #tpu.memory_space<vmem>>, vector<1x16xf32>,
      %swap3A_261 = vector.shape_cast %swap3A_260 : vector<1x16xf32> to vector<16xf32>
      %swap3A_262 = vector.shape_cast %broadcast_in_dim3A_257 : vector<16xf32> to vector<1x16xf32>
      tpu.vector_store %arg9[%swap3A_258, %swap3A_259], %swap3A_262 {strides = array<i32>} : memref<128x64xf32, #tpu.memory_space<vmem>>, vector<1x16xf32>,
      %broadcast_in_dim3A_263 = arith.constant 0.000000e+00 : f32
      %broadcast_in_dim3A_264 = vector.broadcast %broadcast_in_dim3A_263 : f32 to vector<16xf32>
      %swap3A_265 = arith.index_cast %scan3A_250 : i32 to index
      %swap3A_266 = arith.constant 32 : index
      %swap3A_267 = tpu.vector_load %arg9[%swap3A_265, %swap3A_266] {strides = array<i32>} : memref<128x64xf32, #tpu.memory_space<vmem>>, vector<1x16xf32>,
      %swap3A_268 = vector.shape_cast %swap3A_267 : vector<1x16xf32> to vector<16xf32>
      %swap3A_269 = vector.shape_cast %broadcast_in_dim3A_264 : vector<16xf32> to vector<1x16xf32>
      tpu.vector_store %arg9[%swap3A_265, %swap3A_266], %swap3A_269 {strides = array<i32>} : memref<128x64xf32, #tpu.memory_space<vmem>>, vector<1x16xf32>,
      %broadcast_in_dim3A_270 = arith.constant 0.000000e+00 : f32
      %broadcast_in_dim3A_271 = vector.broadcast %broadcast_in_dim3A_270 : f32 to vector<16xf32>
      %swap3A_272 = arith.index_cast %scan3A_250 : i32 to index
      %swap3A_273 = arith.constant 48 : index
      %swap3A_274 = tpu.vector_load %arg9[%swap3A_272, %swap3A_273] {strides = array<i32>} : memref<128x64xf32, #tpu.memory_space<vmem>>, vector<1x16xf32>,
      %swap3A_275 = vector.shape_cast %swap3A_274 : vector<1x16xf32> to vector<16xf32>
      %swap3A_276 = vector.shape_cast %broadcast_in_dim3A_271 : vector<16xf32> to vector<1x16xf32>
      tpu.vector_store %arg9[%swap3A_272, %swap3A_273], %swap3A_276 {strides = array<i32>} : memref<128x64xf32, #tpu.memory_space<vmem>>, vector<1x16xf32>,
    }
    %scan3A_4 = arith.constant 128 : i32
    %mul3A = arith.constant 640 : i32
    %mul3A_5 = arith.muli %arg1, %mul3A : i32
    %add3A = arith.constant 0 : i32
    %add3A_6 = arith.addi %mul3A_5, %add3A : i32
    "tpu.region"() ({
      %run_scoped3A = tpu.sem_alloc : memref<!tpu.dma_semaphore, #tpu.memory_space<semaphore_mem>>
      %dma_start3A_250 = arith.constant 0 : i32
      %dma_start3A_251 = tpu.memref_slice %arg10[%add3A_6, %dma_start3A_250] : memref<10240x64xf32, #tpu.memory_space<vmem_shared>> -> memref<128x64xf32, #tpu.memory_space<vmem_shared>>
      %dma_start3A_252 = arith.constant 0 : i32
      %dma_start3A_253 = tpu.memref_slice %arg10[%add3A_6, %dma_start3A_252] : memref<10240x64xf32, #tpu.memory_space<vmem_shared>> -> memref<128x64xf32, #tpu.memory_space<vmem_shared>>
      tpu.enqueue_dma source(%arg9 : memref<128x64xf32, #tpu.memory_space<vmem>>) target(%dma_start3A_253 : memref<128x64xf32, #tpu.memory_space<vmem_shared>>) target_semaphore(%run_scoped3A : memref<!tpu.dma_semaphore, #tpu.memory_space<semaphore_mem>>)
      %dma_wait3A_254 = arith.constant 0 : i32
      %dma_wait3A_255 = tpu.memref_slice %arg10[%add3A_6, %dma_wait3A_254] : memref<10240x64xf32, #tpu.memory_space<vmem_shared>> -> memref<128x64xf32, #tpu.memory_space<vmem_shared>>
      %dma_wait3A_256 = arith.constant 0 : i32
      %dma_wait3A_257 = tpu.memref_slice %arg10[%add3A_6, %dma_wait3A_256] : memref<10240x64xf32, #tpu.memory_space<vmem_shared>> -> memref<128x64xf32, #tpu.memory_space<vmem_shared>>
      tpu.wait_dma2 semaphore(%run_scoped3A : memref<!tpu.dma_semaphore, #tpu.memory_space<semaphore_mem>>) src(%arg9 : memref<128x64xf32, #tpu.memory_space<vmem>>) dst(%dma_wait3A_257 : memref<128x64xf32, #tpu.memory_space<vmem_shared>>)
      tpu.yield
    }) : () -> ()
    %mul3A_7 = arith.constant 640 : i32
    %mul3A_8 = arith.muli %arg1, %mul3A_7 : i32
    %add3A_9 = arith.constant 128 : i32
    %add3A_10 = arith.addi %mul3A_8, %add3A_9 : i32
    "tpu.region"() ({
      %run_scoped3A = tpu.sem_alloc : memref<!tpu.dma_semaphore, #tpu.memory_space<semaphore_mem>>
      %dma_start3A_250 = arith.constant 0 : i32
      %dma_start3A_251 = tpu.memref_slice %arg10[%add3A_10, %dma_start3A_250] : memref<10240x64xf32, #tpu.memory_space<vmem_shared>> -> memref<128x64xf32, #tpu.memory_space<vmem_shared>>
      %dma_start3A_252 = arith.constant 0 : i32
      %dma_start3A_253 = tpu.memref_slice %arg10[%add3A_10, %dma_start3A_252] : memref<10240x64xf32, #tpu.memory_space<vmem_shared>> -> memref<128x64xf32, #tpu.memory_space<vmem_shared>>
      tpu.enqueue_dma source(%arg9 : memref<128x64xf32, #tpu.memory_space<vmem>>) target(%dma_start3A_253 : memref<128x64xf32, #tpu.memory_space<vmem_shared>>) target_semaphore(%run_scoped3A : memref<!tpu.dma_semaphore, #tpu.memory_space<semaphore_mem>>)
      %dma_wait3A_254 = arith.constant 0 : i32
      %dma_wait3A_255 = tpu.memref_slice %arg10[%add3A_10, %dma_wait3A_254] : memref<10240x64xf32, #tpu.memory_space<vmem_shared>> -> memref<128x64xf32, #tpu.memory_space<vmem_shared>>
      %dma_wait3A_256 = arith.constant 0 : i32
      %dma_wait3A_257 = tpu.memref_slice %arg10[%add3A_10, %dma_wait3A_256] : memref<10240x64xf32, #tpu.memory_space<vmem_shared>> -> memref<128x64xf32, #tpu.memory_space<vmem_shared>>
      tpu.wait_dma2 semaphore(%run_scoped3A : memref<!tpu.dma_semaphore, #tpu.memory_space<semaphore_mem>>) src(%arg9 : memref<128x64xf32, #tpu.memory_space<vmem>>) dst(%dma_wait3A_257 : memref<128x64xf32, #tpu.memory_space<vmem_shared>>)
      tpu.yield
    }) : () -> ()
    %mul3A_11 = arith.constant 640 : i32
    %mul3A_12 = arith.muli %arg1, %mul3A_11 : i32
    %add3A_13 = arith.constant 256 : i32
    %add3A_14 = arith.addi %mul3A_12, %add3A_13 : i32
    "tpu.region"() ({
      %run_scoped3A = tpu.sem_alloc : memref<!tpu.dma_semaphore, #tpu.memory_space<semaphore_mem>>
      %dma_start3A_250 = arith.constant 0 : i32
      %dma_start3A_251 = tpu.memref_slice %arg10[%add3A_14, %dma_start3A_250] : memref<10240x64xf32, #tpu.memory_space<vmem_shared>> -> memref<128x64xf32, #tpu.memory_space<vmem_shared>>
      %dma_start3A_252 = arith.constant 0 : i32
      %dma_start3A_253 = tpu.memref_slice %arg10[%add3A_14, %dma_start3A_252] : memref<10240x64xf32, #tpu.memory_space<vmem_shared>> -> memref<128x64xf32, #tpu.memory_space<vmem_shared>>
      tpu.enqueue_dma source(%arg9 : memref<128x64xf32, #tpu.memory_space<vmem>>) target(%dma_start3A_253 : memref<128x64xf32, #tpu.memory_space<vmem_shared>>) target_semaphore(%run_scoped3A : memref<!tpu.dma_semaphore, #tpu.memory_space<semaphore_mem>>)
      %dma_wait3A_254 = arith.constant 0 : i32
      %dma_wait3A_255 = tpu.memref_slice %arg10[%add3A_14, %dma_wait3A_254] : memref<10240x64xf32, #tpu.memory_space<vmem_shared>> -> memref<128x64xf32, #tpu.memory_space<vmem_shared>>
      %dma_wait3A_256 = arith.constant 0 : i32
      %dma_wait3A_257 = tpu.memref_slice %arg10[%add3A_14, %dma_wait3A_256] : memref<10240x64xf32, #tpu.memory_space<vmem_shared>> -> memref<128x64xf32, #tpu.memory_space<vmem_shared>>
      tpu.wait_dma2 semaphore(%run_scoped3A : memref<!tpu.dma_semaphore, #tpu.memory_space<semaphore_mem>>) src(%arg9 : memref<128x64xf32, #tpu.memory_space<vmem>>) dst(%dma_wait3A_257 : memref<128x64xf32, #tpu.memory_space<vmem_shared>>)
      tpu.yield
    }) : () -> ()
    %mul3A_15 = arith.constant 640 : i32
    %mul3A_16 = arith.muli %arg1, %mul3A_15 : i32
    %add3A_17 = arith.constant 384 : i32
    %add3A_18 = arith.addi %mul3A_16, %add3A_17 : i32
    "tpu.region"() ({
      %run_scoped3A = tpu.sem_alloc : memref<!tpu.dma_semaphore, #tpu.memory_space<semaphore_mem>>
      %dma_start3A_250 = arith.constant 0 : i32
      %dma_start3A_251 = tpu.memref_slice %arg10[%add3A_18, %dma_start3A_250] : memref<10240x64xf32, #tpu.memory_space<vmem_shared>> -> memref<128x64xf32, #tpu.memory_space<vmem_shared>>
      %dma_start3A_252 = arith.constant 0 : i32
      %dma_start3A_253 = tpu.memref_slice %arg10[%add3A_18, %dma_start3A_252] : memref<10240x64xf32, #tpu.memory_space<vmem_shared>> -> memref<128x64xf32, #tpu.memory_space<vmem_shared>>
      tpu.enqueue_dma source(%arg9 : memref<128x64xf32, #tpu.memory_space<vmem>>) target(%dma_start3A_253 : memref<128x64xf32, #tpu.memory_space<vmem_shared>>) target_semaphore(%run_scoped3A : memref<!tpu.dma_semaphore, #tpu.memory_space<semaphore_mem>>)
      %dma_wait3A_254 = arith.constant 0 : i32
      %dma_wait3A_255 = tpu.memref_slice %arg10[%add3A_18, %dma_wait3A_254] : memref<10240x64xf32, #tpu.memory_space<vmem_shared>> -> memref<128x64xf32, #tpu.memory_space<vmem_shared>>
      %dma_wait3A_256 = arith.constant 0 : i32
      %dma_wait3A_257 = tpu.memref_slice %arg10[%add3A_18, %dma_wait3A_256] : memref<10240x64xf32, #tpu.memory_space<vmem_shared>> -> memref<128x64xf32, #tpu.memory_space<vmem_shared>>
      tpu.wait_dma2 semaphore(%run_scoped3A : memref<!tpu.dma_semaphore, #tpu.memory_space<semaphore_mem>>) src(%arg9 : memref<128x64xf32, #tpu.memory_space<vmem>>) dst(%dma_wait3A_257 : memref<128x64xf32, #tpu.memory_space<vmem_shared>>)
      tpu.yield
    }) : () -> ()
    %mul3A_19 = arith.constant 640 : i32
    %mul3A_20 = arith.muli %arg1, %mul3A_19 : i32
    %add3A_21 = arith.constant 512 : i32
    %add3A_22 = arith.addi %mul3A_20, %add3A_21 : i32
    "tpu.region"() ({
      %run_scoped3A = tpu.sem_alloc : memref<!tpu.dma_semaphore, #tpu.memory_space<semaphore_mem>>
      %dma_start3A_250 = arith.constant 0 : i32
      %dma_start3A_251 = tpu.memref_slice %arg10[%add3A_22, %dma_start3A_250] : memref<10240x64xf32, #tpu.memory_space<vmem_shared>> -> memref<128x64xf32, #tpu.memory_space<vmem_shared>>
      %dma_start3A_252 = arith.constant 0 : i32
      %dma_start3A_253 = tpu.memref_slice %arg10[%add3A_22, %dma_start3A_252] : memref<10240x64xf32, #tpu.memory_space<vmem_shared>> -> memref<128x64xf32, #tpu.memory_space<vmem_shared>>
      tpu.enqueue_dma source(%arg9 : memref<128x64xf32, #tpu.memory_space<vmem>>) target(%dma_start3A_253 : memref<128x64xf32, #tpu.memory_space<vmem_shared>>) target_semaphore(%run_scoped3A : memref<!tpu.dma_semaphore, #tpu.memory_space<semaphore_mem>>)
      %dma_wait3A_254 = arith.constant 0 : i32
      %dma_wait3A_255 = tpu.memref_slice %arg10[%add3A_22, %dma_wait3A_254] : memref<10240x64xf32, #tpu.memory_space<vmem_shared>> -> memref<128x64xf32, #tpu.memory_space<vmem_shared>>
      %dma_wait3A_256 = arith.constant 0 : i32
      %dma_wait3A_257 = tpu.memref_slice %arg10[%add3A_22, %dma_wait3A_256] : memref<10240x64xf32, #tpu.memory_space<vmem_shared>> -> memref<128x64xf32, #tpu.memory_space<vmem_shared>>
      tpu.wait_dma2 semaphore(%run_scoped3A : memref<!tpu.dma_semaphore, #tpu.memory_space<semaphore_mem>>) src(%arg9 : memref<128x64xf32, #tpu.memory_space<vmem>>) dst(%dma_wait3A_257 : memref<128x64xf32, #tpu.memory_space<vmem_shared>>)
      tpu.yield
    }) : () -> ()
    "tpu.region"() ({
      %run_scoped3A = tpu.sem_alloc : memref<!tpu.dma_semaphore, #tpu.memory_space<semaphore_mem>>
      %dma_start3A_250 = arith.constant 0 : i32
      %dma_start3A_251 = arith.constant 0 : i32
      %dma_start3A_252 = tpu.memref_slice %arg3[%arg0, %arg1, %dma_start3A_250, %dma_start3A_251] : memref<2x16x160x125xi32, #tpu.memory_space<hbm>> -> memref<1x1x160x125xi32, #tpu.memory_space<hbm>>
      %dma_start3A_253 = tpu.memref_squeeze %dma_start3A_252 : memref<1x1x160x125xi32, #tpu.memory_space<hbm>> -> memref<160x125xi32, #tpu.memory_space<hbm>>
      %dma_start3A_254 = arith.constant 0 : i32
      %dma_start3A_255 = arith.constant 0 : i32
      %dma_start3A_256 = tpu.memref_slice %arg3[%arg0, %arg1, %dma_start3A_254, %dma_start3A_255] : memref<2x16x160x125xi32, #tpu.memory_space<hbm>> -> memref<1x1x160x125xi32, #tpu.memory_space<hbm>>
      %dma_start3A_257 = tpu.memref_squeeze %dma_start3A_256 : memref<1x1x160x125xi32, #tpu.memory_space<hbm>> -> memref<160x125xi32, #tpu.memory_space<hbm>>
      tpu.enqueue_dma source(%dma_start3A_257 : memref<160x125xi32, #tpu.memory_space<hbm>>) target(%arg6 : memref<160x125xi32, #tpu.memory_space<vmem>>) target_semaphore(%run_scoped3A : memref<!tpu.dma_semaphore, #tpu.memory_space<semaphore_mem>>)
      %dma_wait3A_258 = arith.constant 0 : i32
      %dma_wait3A_259 = arith.constant 0 : i32
      %dma_wait3A_260 = tpu.memref_slice %arg3[%arg0, %arg1, %dma_wait3A_258, %dma_wait3A_259] : memref<2x16x160x125xi32, #tpu.memory_space<hbm>> -> memref<1x1x160x125xi32, #tpu.memory_space<hbm>>
      %dma_wait3A_261 = tpu.memref_squeeze %dma_wait3A_260 : memref<1x1x160x125xi32, #tpu.memory_space<hbm>> -> memref<160x125xi32, #tpu.memory_space<hbm>>
      %dma_wait3A_262 = arith.constant 0 : i32
      %dma_wait3A_263 = arith.constant 0 : i32
      %dma_wait3A_264 = tpu.memref_slice %arg3[%arg0, %arg1, %dma_wait3A_262, %dma_wait3A_263] : memref<2x16x160x125xi32, #tpu.memory_space<hbm>> -> memref<1x1x160x125xi32, #tpu.memory_space<hbm>>
      %dma_wait3A_265 = tpu.memref_squeeze %dma_wait3A_264 : memref<1x1x160x125xi32, #tpu.memory_space<hbm>> -> memref<160x125xi32, #tpu.memory_space<hbm>>
      tpu.wait_dma2 semaphore(%run_scoped3A : memref<!tpu.dma_semaphore, #tpu.memory_space<semaphore_mem>>) src(%dma_wait3A_265 : memref<160x125xi32, #tpu.memory_space<hbm>>) dst(%arg6 : memref<160x125xi32, #tpu.memory_space<vmem>>)
      tpu.yield
    }) : () -> ()
    "tpu.region"() ({
      %run_scoped3A = tpu.sem_alloc : memref<!tpu.dma_semaphore, #tpu.memory_space<semaphore_mem>>
      %dma_start3A_250 = arith.constant 0 : i32
      %dma_start3A_251 = arith.constant 0 : i32
      %dma_start3A_252 = tpu.memref_slice %arg4[%arg1, %dma_start3A_250, %dma_start3A_251] : memref<16x160x125xi32, #tpu.memory_space<hbm>> -> memref<1x160x125xi32, #tpu.memory_space<hbm>>
      %dma_start3A_253 = tpu.memref_squeeze %dma_start3A_252 : memref<1x160x125xi32, #tpu.memory_space<hbm>> -> memref<160x125xi32, #tpu.memory_space<hbm>>
      %dma_start3A_254 = arith.constant 0 : i32
      %dma_start3A_255 = arith.constant 0 : i32
      %dma_start3A_256 = tpu.memref_slice %arg4[%arg1, %dma_start3A_254, %dma_start3A_255] : memref<16x160x125xi32, #tpu.memory_space<hbm>> -> memref<1x160x125xi32, #tpu.memory_space<hbm>>
      %dma_start3A_257 = tpu.memref_squeeze %dma_start3A_256 : memref<1x160x125xi32, #tpu.memory_space<hbm>> -> memref<160x125xi32, #tpu.memory_space<hbm>>
      tpu.enqueue_dma source(%dma_start3A_257 : memref<160x125xi32, #tpu.memory_space<hbm>>) target(%arg7 : memref<160x125xi32, #tpu.memory_space<vmem>>) target_semaphore(%run_scoped3A : memref<!tpu.dma_semaphore, #tpu.memory_space<semaphore_mem>>)
      %dma_wait3A_258 = arith.constant 0 : i32
      %dma_wait3A_259 = arith.constant 0 : i32
      %dma_wait3A_260 = tpu.memref_slice %arg4[%arg1, %dma_wait3A_258, %dma_wait3A_259] : memref<16x160x125xi32, #tpu.memory_space<hbm>> -> memref<1x160x125xi32, #tpu.memory_space<hbm>>
      %dma_wait3A_261 = tpu.memref_squeeze %dma_wait3A_260 : memref<1x160x125xi32, #tpu.memory_space<hbm>> -> memref<160x125xi32, #tpu.memory_space<hbm>>
      %dma_wait3A_262 = arith.constant 0 : i32
      %dma_wait3A_263 = arith.constant 0 : i32
      %dma_wait3A_264 = tpu.memref_slice %arg4[%arg1, %dma_wait3A_262, %dma_wait3A_263] : memref<16x160x125xi32, #tpu.memory_space<hbm>> -> memref<1x160x125xi32, #tpu.memory_space<hbm>>
      %dma_wait3A_265 = tpu.memref_squeeze %dma_wait3A_264 : memref<1x160x125xi32, #tpu.memory_space<hbm>> -> memref<160x125xi32, #tpu.memory_space<hbm>>
      tpu.wait_dma2 semaphore(%run_scoped3A : memref<!tpu.dma_semaphore, #tpu.memory_space<semaphore_mem>>) src(%dma_wait3A_265 : memref<160x125xi32, #tpu.memory_space<hbm>>) dst(%arg7 : memref<160x125xi32, #tpu.memory_space<vmem>>)
      tpu.yield
    }) : () -> ()
    %dma_start3A = arith.constant 0 : i32
    %dma_start3A_23 = arith.constant 0 : i32
    %dma_start3A_24 = arith.constant 0 : i32
    %dma_start3A_25 = arith.constant 0 : i32
    %dma_start3A_26 = tpu.memref_slice %arg8[%dma_start3A_23, %dma_start3A_24, %dma_start3A_25] : memref<4x125x64xf32, #tpu.memory_space<vmem>> -> memref<1x125x64xf32, #tpu.memory_space<vmem>>
    %dma_start3A_27 = tpu.memref_squeeze %dma_start3A_26 : memref<1x125x64xf32, #tpu.memory_space<vmem>> -> memref<125x64xf32, #tpu.memory_space<vmem>>
    %dma_start3A_28 = arith.constant 0 : i32
    %dma_start3A_29 = tpu.memref_slice %arg6[%dma_start3A, %dma_start3A_28] : memref<160x125xi32, #tpu.memory_space<vmem>> -> memref<1x125xi32, #tpu.memory_space<vmem>>
    %dma_start3A_30 = tpu.memref_squeeze %dma_start3A_29 : memref<1x125xi32, #tpu.memory_space<vmem>> -> memref<125xi32, #tpu.memory_space<vmem>>
    %dma_start3A_31 = arith.constant 0 : i32
    %dma_start3A_32 = arith.constant 0 : i32
    %dma_start3A_33 = tpu.memref_slice %arg2[%dma_start3A_31, %dma_start3A_32] : memref<20000x64xf32, #tpu.memory_space<hbm>> -> memref<20000x64xf32, #tpu.memory_space<hbm>>
    tpu.enqueue_indirect_dma source(%dma_start3A_33 : memref<20000x64xf32, #tpu.memory_space<hbm>>) target(%dma_start3A_27 : memref<125x64xf32, #tpu.memory_space<vmem>>) offsets(%dma_start3A_30 : memref<125xi32, #tpu.memory_space<vmem>>) semaphore(%arg11 : memref<!tpu.dma_semaphore, #tpu.memory_space<semaphore_mem>>)
    %dma_start3A_34 = arith.constant 1 : i32
    %dma_start3A_35 = arith.constant 1 : i32
    %dma_start3A_36 = arith.constant 0 : i32
    %dma_start3A_37 = arith.constant 0 : i32
    %dma_start3A_38 = tpu.memref_slice %arg8[%dma_start3A_35, %dma_start3A_36, %dma_start3A_37] : memref<4x125x64xf32, #tpu.memory_space<vmem>> -> memref<1x125x64xf32, #tpu.memory_space<vmem>>
    %dma_start3A_39 = tpu.memref_squeeze %dma_start3A_38 : memref<1x125x64xf32, #tpu.memory_space<vmem>> -> memref<125x64xf32, #tpu.memory_space<vmem>>
    %dma_start3A_40 = arith.constant 0 : i32
    %dma_start3A_41 = tpu.memref_slice %arg6[%dma_start3A_34, %dma_start3A_40] : memref<160x125xi32, #tpu.memory_space<vmem>> -> memref<1x125xi32, #tpu.memory_space<vmem>>
    %dma_start3A_42 = tpu.memref_squeeze %dma_start3A_41 : memref<1x125xi32, #tpu.memory_space<vmem>> -> memref<125xi32, #tpu.memory_space<vmem>>
    %dma_start3A_43 = arith.constant 0 : i32
    %dma_start3A_44 = arith.constant 0 : i32
    %dma_start3A_45 = tpu.memref_slice %arg2[%dma_start3A_43, %dma_start3A_44] : memref<20000x64xf32, #tpu.memory_space<hbm>> -> memref<20000x64xf32, #tpu.memory_space<hbm>>
    tpu.enqueue_indirect_dma source(%dma_start3A_45 : memref<20000x64xf32, #tpu.memory_space<hbm>>) target(%dma_start3A_39 : memref<125x64xf32, #tpu.memory_space<vmem>>) offsets(%dma_start3A_42 : memref<125xi32, #tpu.memory_space<vmem>>) semaphore(%arg12 : memref<!tpu.dma_semaphore, #tpu.memory_space<semaphore_mem>>)
    %dma_start3A_46 = arith.constant 2 : i32
    %dma_start3A_47 = arith.constant 2 : i32
    %dma_start3A_48 = arith.constant 0 : i32
    %dma_start3A_49 = arith.constant 0 : i32
    %dma_start3A_50 = tpu.memref_slice %arg8[%dma_start3A_47, %dma_start3A_48, %dma_start3A_49] : memref<4x125x64xf32, #tpu.memory_space<vmem>> -> memref<1x125x64xf32, #tpu.memory_space<vmem>>
    %dma_start3A_51 = tpu.memref_squeeze %dma_start3A_50 : memref<1x125x64xf32, #tpu.memory_space<vmem>> -> memref<125x64xf32, #tpu.memory_space<vmem>>
    %dma_start3A_52 = arith.constant 0 : i32
    %dma_start3A_53 = tpu.memref_slice %arg6[%dma_start3A_46, %dma_start3A_52] : memref<160x125xi32, #tpu.memory_space<vmem>> -> memref<1x125xi32, #tpu.memory_space<vmem>>
    %dma_start3A_54 = tpu.memref_squeeze %dma_start3A_53 : memref<1x125xi32, #tpu.memory_space<vmem>> -> memref<125xi32, #tpu.memory_space<vmem>>
    %dma_start3A_55 = arith.constant 0 : i32
    %dma_start3A_56 = arith.constant 0 : i32
    %dma_start3A_57 = tpu.memref_slice %arg2[%dma_start3A_55, %dma_start3A_56] : memref<20000x64xf32, #tpu.memory_space<hbm>> -> memref<20000x64xf32, #tpu.memory_space<hbm>>
    tpu.enqueue_indirect_dma source(%dma_start3A_57 : memref<20000x64xf32, #tpu.memory_space<hbm>>) target(%dma_start3A_51 : memref<125x64xf32, #tpu.memory_space<vmem>>) offsets(%dma_start3A_54 : memref<125xi32, #tpu.memory_space<vmem>>) semaphore(%arg13 : memref<!tpu.dma_semaphore, #tpu.memory_space<semaphore_mem>>)
    %dma_start3A_58 = arith.constant 3 : i32
    %dma_start3A_59 = arith.constant 3 : i32
    %dma_start3A_60 = arith.constant 0 : i32
    %dma_start3A_61 = arith.constant 0 : i32
    %dma_start3A_62 = tpu.memref_slice %arg8[%dma_start3A_59, %dma_start3A_60, %dma_start3A_61] : memref<4x125x64xf32, #tpu.memory_space<vmem>> -> memref<1x125x64xf32, #tpu.memory_space<vmem>>
    %dma_start3A_63 = tpu.memref_squeeze %dma_start3A_62 : memref<1x125x64xf32, #tpu.memory_space<vmem>> -> memref<125x64xf32, #tpu.memory_space<vmem>>
    %dma_start3A_64 = arith.constant 0 : i32
    %dma_start3A_65 = tpu.memref_slice %arg6[%dma_start3A_58, %dma_start3A_64] : memref<160x125xi32, #tpu.memory_space<vmem>> -> memref<1x125xi32, #tpu.memory_space<vmem>>
    %dma_start3A_66 = tpu.memref_squeeze %dma_start3A_65 : memref<1x125xi32, #tpu.memory_space<vmem>> -> memref<125xi32, #tpu.memory_space<vmem>>
    %dma_start3A_67 = arith.constant 0 : i32
    %dma_start3A_68 = arith.constant 0 : i32
    %dma_start3A_69 = tpu.memref_slice %arg2[%dma_start3A_67, %dma_start3A_68] : memref<20000x64xf32, #tpu.memory_space<hbm>> -> memref<20000x64xf32, #tpu.memory_space<hbm>>
    tpu.enqueue_indirect_dma source(%dma_start3A_69 : memref<20000x64xf32, #tpu.memory_space<hbm>>) target(%dma_start3A_63 : memref<125x64xf32, #tpu.memory_space<vmem>>) offsets(%dma_start3A_66 : memref<125xi32, #tpu.memory_space<vmem>>) semaphore(%arg14 : memref<!tpu.dma_semaphore, #tpu.memory_space<semaphore_mem>>)
    %barrier3A = arith.constant 0 : index
    tpu.barrier barrier_id(%barrier3A)
    %scan3A_70 = arith.constant 0 : i32
    %scan3A_71 = arith.constant 0 : i32
    %scan3A_72 = arith.constant 39 : i32
    %scan3A_73 = arith.addi %scan3A_71, %scan3A_72 : i32
    %scan3A_74 = arith.constant 1 : i32
    scf.for %scan3A_250 = %scan3A_71 to %scan3A_73 step %scan3A_74  : i32 {
      %mul3A_251 = arith.constant 4 : i32
      %mul3A_252 = arith.muli %mul3A_251, %scan3A_250 : i32
      %dma_wait3A_253 = arith.constant 0 : i32
      %dma_wait3A_254 = arith.constant 0 : i32
      %dma_wait3A_255 = arith.constant 0 : i32
      %dma_wait3A_256 = tpu.memref_slice %arg8[%dma_wait3A_253, %dma_wait3A_254, %dma_wait3A_255] : memref<4x125x64xf32, #tpu.memory_space<vmem>> -> memref<1x125x64xf32, #tpu.memory_space<vmem>>
      %dma_wait3A_257 = tpu.memref_squeeze %dma_wait3A_256 : memref<1x125x64xf32, #tpu.memory_space<vmem>> -> memref<125x64xf32, #tpu.memory_space<vmem>>
      %dma_wait3A_258 = arith.constant 0 : i32
      %dma_wait3A_259 = arith.constant 0 : i32
      %dma_wait3A_260 = tpu.memref_slice %arg2[%dma_wait3A_258, %dma_wait3A_259] : memref<20000x64xf32, #tpu.memory_space<hbm>> -> memref<125x64xf32, #tpu.memory_space<hbm>>
      %dma_wait3A_261 = arith.constant 0 : i32
      %dma_wait3A_262 = arith.constant 0 : i32
      %dma_wait3A_263 = tpu.memref_slice %arg8[%dma_wait3A_253, %dma_wait3A_261, %dma_wait3A_262] : memref<4x125x64xf32, #tpu.memory_space<vmem>> -> memref<1x125x64xf32, #tpu.memory_space<vmem>>
      %dma_wait3A_264 = tpu.memref_squeeze %dma_wait3A_263 : memref<1x125x64xf32, #tpu.memory_space<vmem>> -> memref<125x64xf32, #tpu.memory_space<vmem>>
      %dma_wait3A_265 = arith.constant 0 : i32
      %dma_wait3A_266 = arith.constant 0 : i32
      %dma_wait3A_267 = tpu.memref_slice %arg2[%dma_wait3A_265, %dma_wait3A_266] : memref<20000x64xf32, #tpu.memory_space<hbm>> -> memref<125x64xf32, #tpu.memory_space<hbm>>
      tpu.wait_dma2 semaphore(%arg11 : memref<!tpu.dma_semaphore, #tpu.memory_space<semaphore_mem>>) src(%dma_wait3A_267 : memref<125x64xf32, #tpu.memory_space<hbm>>) dst(%dma_wait3A_264 : memref<125x64xf32, #tpu.memory_space<vmem>>)
      %add3A_268 = arith.constant 0 : i32
      %add3A_269 = arith.addi %mul3A_252, %add3A_268 : i32
      %dma_start3A_270 = arith.constant 0 : i32
      %dma_start3A_271 = arith.constant 0 : i32
      %dma_start3A_272 = arith.constant 0 : i32
      %dma_start3A_273 = tpu.memref_slice %arg8[%dma_start3A_270, %dma_start3A_271, %dma_start3A_272] : memref<4x125x64xf32, #tpu.memory_space<vmem>> -> memref<1x125x64xf32, #tpu.memory_space<vmem>>
      %dma_start3A_274 = tpu.memref_squeeze %dma_start3A_273 : memref<1x125x64xf32, #tpu.memory_space<vmem>> -> memref<125x64xf32, #tpu.memory_space<vmem>>
      %dma_start3A_275 = arith.constant 0 : i32
      %dma_start3A_276 = tpu.memref_slice %arg7[%add3A_269, %dma_start3A_275] : memref<160x125xi32, #tpu.memory_space<vmem>> -> memref<1x125xi32, #tpu.memory_space<vmem>>
      %dma_start3A_277 = tpu.memref_squeeze %dma_start3A_276 : memref<1x125xi32, #tpu.memory_space<vmem>> -> memref<125xi32, #tpu.memory_space<vmem>>
      %dma_start3A_278 = arith.constant 0 : i32
      %dma_start3A_279 = arith.constant 0 : i32
      %dma_start3A_280 = tpu.memref_slice %arg10[%dma_start3A_278, %dma_start3A_279] : memref<10240x64xf32, #tpu.memory_space<vmem_shared>> -> memref<10240x64xf32, #tpu.memory_space<vmem_shared>>
      tpu.enqueue_indirect_dma source(%dma_start3A_274 : memref<125x64xf32, #tpu.memory_space<vmem>>) target(%dma_start3A_280 : memref<10240x64xf32, #tpu.memory_space<vmem_shared>>) offsets(%dma_start3A_277 : memref<125xi32, #tpu.memory_space<vmem>>) semaphore(%arg15 : memref<!tpu.dma_semaphore, #tpu.memory_space<semaphore_mem>>) {add = true}
      %dma_wait3A_281 = arith.constant 1 : i32
      %dma_wait3A_282 = arith.constant 0 : i32
      %dma_wait3A_283 = arith.constant 0 : i32
      %dma_wait3A_284 = tpu.memref_slice %arg8[%dma_wait3A_281, %dma_wait3A_282, %dma_wait3A_283] : memref<4x125x64xf32, #tpu.memory_space<vmem>> -> memref<1x125x64xf32, #tpu.memory_space<vmem>>
      %dma_wait3A_285 = tpu.memref_squeeze %dma_wait3A_284 : memref<1x125x64xf32, #tpu.memory_space<vmem>> -> memref<125x64xf32, #tpu.memory_space<vmem>>
      %dma_wait3A_286 = arith.constant 0 : i32
      %dma_wait3A_287 = arith.constant 0 : i32
      %dma_wait3A_288 = tpu.memref_slice %arg2[%dma_wait3A_286, %dma_wait3A_287] : memref<20000x64xf32, #tpu.memory_space<hbm>> -> memref<125x64xf32, #tpu.memory_space<hbm>>
      %dma_wait3A_289 = arith.constant 0 : i32
      %dma_wait3A_290 = arith.constant 0 : i32
      %dma_wait3A_291 = tpu.memref_slice %arg8[%dma_wait3A_281, %dma_wait3A_289, %dma_wait3A_290] : memref<4x125x64xf32, #tpu.memory_space<vmem>> -> memref<1x125x64xf32, #tpu.memory_space<vmem>>
      %dma_wait3A_292 = tpu.memref_squeeze %dma_wait3A_291 : memref<1x125x64xf32, #tpu.memory_space<vmem>> -> memref<125x64xf32, #tpu.memory_space<vmem>>
      %dma_wait3A_293 = arith.constant 0 : i32
      %dma_wait3A_294 = arith.constant 0 : i32
      %dma_wait3A_295 = tpu.memref_slice %arg2[%dma_wait3A_293, %dma_wait3A_294] : memref<20000x64xf32, #tpu.memory_space<hbm>> -> memref<125x64xf32, #tpu.memory_space<hbm>>
      tpu.wait_dma2 semaphore(%arg12 : memref<!tpu.dma_semaphore, #tpu.memory_space<semaphore_mem>>) src(%dma_wait3A_295 : memref<125x64xf32, #tpu.memory_space<hbm>>) dst(%dma_wait3A_292 : memref<125x64xf32, #tpu.memory_space<vmem>>)
      %add3A_296 = arith.constant 1 : i32
      %add3A_297 = arith.addi %mul3A_252, %add3A_296 : i32
      %dma_start3A_298 = arith.constant 1 : i32
      %dma_start3A_299 = arith.constant 0 : i32
      %dma_start3A_300 = arith.constant 0 : i32
      %dma_start3A_301 = tpu.memref_slice %arg8[%dma_start3A_298, %dma_start3A_299, %dma_start3A_300] : memref<4x125x64xf32, #tpu.memory_space<vmem>> -> memref<1x125x64xf32, #tpu.memory_space<vmem>>
      %dma_start3A_302 = tpu.memref_squeeze %dma_start3A_301 : memref<1x125x64xf32, #tpu.memory_space<vmem>> -> memref<125x64xf32, #tpu.memory_space<vmem>>
      %dma_start3A_303 = arith.constant 0 : i32
      %dma_start3A_304 = tpu.memref_slice %arg7[%add3A_297, %dma_start3A_303] : memref<160x125xi32, #tpu.memory_space<vmem>> -> memref<1x125xi32, #tpu.memory_space<vmem>>
      %dma_start3A_305 = tpu.memref_squeeze %dma_start3A_304 : memref<1x125xi32, #tpu.memory_space<vmem>> -> memref<125xi32, #tpu.memory_space<vmem>>
      %dma_start3A_306 = arith.constant 0 : i32
      %dma_start3A_307 = arith.constant 0 : i32
      %dma_start3A_308 = tpu.memref_slice %arg10[%dma_start3A_306, %dma_start3A_307] : memref<10240x64xf32, #tpu.memory_space<vmem_shared>> -> memref<10240x64xf32, #tpu.memory_space<vmem_shared>>
      tpu.enqueue_indirect_dma source(%dma_start3A_302 : memref<125x64xf32, #tpu.memory_space<vmem>>) target(%dma_start3A_308 : memref<10240x64xf32, #tpu.memory_space<vmem_shared>>) offsets(%dma_start3A_305 : memref<125xi32, #tpu.memory_space<vmem>>) semaphore(%arg16 : memref<!tpu.dma_semaphore, #tpu.memory_space<semaphore_mem>>) {add = true}
      %dma_wait3A_309 = arith.constant 2 : i32
      %dma_wait3A_310 = arith.constant 0 : i32
      %dma_wait3A_311 = arith.constant 0 : i32
      %dma_wait3A_312 = tpu.memref_slice %arg8[%dma_wait3A_309, %dma_wait3A_310, %dma_wait3A_311] : memref<4x125x64xf32, #tpu.memory_space<vmem>> -> memref<1x125x64xf32, #tpu.memory_space<vmem>>
      %dma_wait3A_313 = tpu.memref_squeeze %dma_wait3A_312 : memref<1x125x64xf32, #tpu.memory_space<vmem>> -> memref<125x64xf32, #tpu.memory_space<vmem>>
      %dma_wait3A_314 = arith.constant 0 : i32
      %dma_wait3A_315 = arith.constant 0 : i32
      %dma_wait3A_316 = tpu.memref_slice %arg2[%dma_wait3A_314, %dma_wait3A_315] : memref<20000x64xf32, #tpu.memory_space<hbm>> -> memref<125x64xf32, #tpu.memory_space<hbm>>
      %dma_wait3A_317 = arith.constant 0 : i32
      %dma_wait3A_318 = arith.constant 0 : i32
      %dma_wait3A_319 = tpu.memref_slice %arg8[%dma_wait3A_309, %dma_wait3A_317, %dma_wait3A_318] : memref<4x125x64xf32, #tpu.memory_space<vmem>> -> memref<1x125x64xf32, #tpu.memory_space<vmem>>
      %dma_wait3A_320 = tpu.memref_squeeze %dma_wait3A_319 : memref<1x125x64xf32, #tpu.memory_space<vmem>> -> memref<125x64xf32, #tpu.memory_space<vmem>>
      %dma_wait3A_321 = arith.constant 0 : i32
      %dma_wait3A_322 = arith.constant 0 : i32
      %dma_wait3A_323 = tpu.memref_slice %arg2[%dma_wait3A_321, %dma_wait3A_322] : memref<20000x64xf32, #tpu.memory_space<hbm>> -> memref<125x64xf32, #tpu.memory_space<hbm>>
      tpu.wait_dma2 semaphore(%arg13 : memref<!tpu.dma_semaphore, #tpu.memory_space<semaphore_mem>>) src(%dma_wait3A_323 : memref<125x64xf32, #tpu.memory_space<hbm>>) dst(%dma_wait3A_320 : memref<125x64xf32, #tpu.memory_space<vmem>>)
      %add3A_324 = arith.constant 2 : i32
      %add3A_325 = arith.addi %mul3A_252, %add3A_324 : i32
      %dma_start3A_326 = arith.constant 2 : i32
      %dma_start3A_327 = arith.constant 0 : i32
      %dma_start3A_328 = arith.constant 0 : i32
      %dma_start3A_329 = tpu.memref_slice %arg8[%dma_start3A_326, %dma_start3A_327, %dma_start3A_328] : memref<4x125x64xf32, #tpu.memory_space<vmem>> -> memref<1x125x64xf32, #tpu.memory_space<vmem>>
      %dma_start3A_330 = tpu.memref_squeeze %dma_start3A_329 : memref<1x125x64xf32, #tpu.memory_space<vmem>> -> memref<125x64xf32, #tpu.memory_space<vmem>>
      %dma_start3A_331 = arith.constant 0 : i32
      %dma_start3A_332 = tpu.memref_slice %arg7[%add3A_325, %dma_start3A_331] : memref<160x125xi32, #tpu.memory_space<vmem>> -> memref<1x125xi32, #tpu.memory_space<vmem>>
      %dma_start3A_333 = tpu.memref_squeeze %dma_start3A_332 : memref<1x125xi32, #tpu.memory_space<vmem>> -> memref<125xi32, #tpu.memory_space<vmem>>
      %dma_start3A_334 = arith.constant 0 : i32
      %dma_start3A_335 = arith.constant 0 : i32
      %dma_start3A_336 = tpu.memref_slice %arg10[%dma_start3A_334, %dma_start3A_335] : memref<10240x64xf32, #tpu.memory_space<vmem_shared>> -> memref<10240x64xf32, #tpu.memory_space<vmem_shared>>
      tpu.enqueue_indirect_dma source(%dma_start3A_330 : memref<125x64xf32, #tpu.memory_space<vmem>>) target(%dma_start3A_336 : memref<10240x64xf32, #tpu.memory_space<vmem_shared>>) offsets(%dma_start3A_333 : memref<125xi32, #tpu.memory_space<vmem>>) semaphore(%arg17 : memref<!tpu.dma_semaphore, #tpu.memory_space<semaphore_mem>>) {add = true}
      %dma_wait3A_337 = arith.constant 3 : i32
      %dma_wait3A_338 = arith.constant 0 : i32
      %dma_wait3A_339 = arith.constant 0 : i32
      %dma_wait3A_340 = tpu.memref_slice %arg8[%dma_wait3A_337, %dma_wait3A_338, %dma_wait3A_339] : memref<4x125x64xf32, #tpu.memory_space<vmem>> -> memref<1x125x64xf32, #tpu.memory_space<vmem>>
      %dma_wait3A_341 = tpu.memref_squeeze %dma_wait3A_340 : memref<1x125x64xf32, #tpu.memory_space<vmem>> -> memref<125x64xf32, #tpu.memory_space<vmem>>
      %dma_wait3A_342 = arith.constant 0 : i32
      %dma_wait3A_343 = arith.constant 0 : i32
      %dma_wait3A_344 = tpu.memref_slice %arg2[%dma_wait3A_342, %dma_wait3A_343] : memref<20000x64xf32, #tpu.memory_space<hbm>> -> memref<125x64xf32, #tpu.memory_space<hbm>>
      %dma_wait3A_345 = arith.constant 0 : i32
      %dma_wait3A_346 = arith.constant 0 : i32
      %dma_wait3A_347 = tpu.memref_slice %arg8[%dma_wait3A_337, %dma_wait3A_345, %dma_wait3A_346] : memref<4x125x64xf32, #tpu.memory_space<vmem>> -> memref<1x125x64xf32, #tpu.memory_space<vmem>>
      %dma_wait3A_348 = tpu.memref_squeeze %dma_wait3A_347 : memref<1x125x64xf32, #tpu.memory_space<vmem>> -> memref<125x64xf32, #tpu.memory_space<vmem>>
      %dma_wait3A_349 = arith.constant 0 : i32
      %dma_wait3A_350 = arith.constant 0 : i32
      %dma_wait3A_351 = tpu.memref_slice %arg2[%dma_wait3A_349, %dma_wait3A_350] : memref<20000x64xf32, #tpu.memory_space<hbm>> -> memref<125x64xf32, #tpu.memory_space<hbm>>
      tpu.wait_dma2 semaphore(%arg14 : memref<!tpu.dma_semaphore, #tpu.memory_space<semaphore_mem>>) src(%dma_wait3A_351 : memref<125x64xf32, #tpu.memory_space<hbm>>) dst(%dma_wait3A_348 : memref<125x64xf32, #tpu.memory_space<vmem>>)
      %add3A_352 = arith.constant 3 : i32
      %add3A_353 = arith.addi %mul3A_252, %add3A_352 : i32
      %dma_start3A_354 = arith.constant 3 : i32
      %dma_start3A_355 = arith.constant 0 : i32
      %dma_start3A_356 = arith.constant 0 : i32
      %dma_start3A_357 = tpu.memref_slice %arg8[%dma_start3A_354, %dma_start3A_355, %dma_start3A_356] : memref<4x125x64xf32, #tpu.memory_space<vmem>> -> memref<1x125x64xf32, #tpu.memory_space<vmem>>
      %dma_start3A_358 = tpu.memref_squeeze %dma_start3A_357 : memref<1x125x64xf32, #tpu.memory_space<vmem>> -> memref<125x64xf32, #tpu.memory_space<vmem>>
      %dma_start3A_359 = arith.constant 0 : i32
      %dma_start3A_360 = tpu.memref_slice %arg7[%add3A_353, %dma_start3A_359] : memref<160x125xi32, #tpu.memory_space<vmem>> -> memref<1x125xi32, #tpu.memory_space<vmem>>
      %dma_start3A_361 = tpu.memref_squeeze %dma_start3A_360 : memref<1x125xi32, #tpu.memory_space<vmem>> -> memref<125xi32, #tpu.memory_space<vmem>>
      %dma_start3A_362 = arith.constant 0 : i32
      %dma_start3A_363 = arith.constant 0 : i32
      %dma_start3A_364 = tpu.memref_slice %arg10[%dma_start3A_362, %dma_start3A_363] : memref<10240x64xf32, #tpu.memory_space<vmem_shared>> -> memref<10240x64xf32, #tpu.memory_space<vmem_shared>>
      tpu.enqueue_indirect_dma source(%dma_start3A_358 : memref<125x64xf32, #tpu.memory_space<vmem>>) target(%dma_start3A_364 : memref<10240x64xf32, #tpu.memory_space<vmem_shared>>) offsets(%dma_start3A_361 : memref<125xi32, #tpu.memory_space<vmem>>) semaphore(%arg18 : memref<!tpu.dma_semaphore, #tpu.memory_space<semaphore_mem>>) {add = true}
      %dma_wait3A_365 = arith.constant 0 : i32
      %dma_wait3A_366 = arith.constant 0 : i32
      %dma_wait3A_367 = arith.constant 0 : i32
      %dma_wait3A_368 = tpu.memref_slice %arg8[%dma_wait3A_365, %dma_wait3A_366, %dma_wait3A_367] : memref<4x125x64xf32, #tpu.memory_space<vmem>> -> memref<1x125x64xf32, #tpu.memory_space<vmem>>
      %dma_wait3A_369 = tpu.memref_squeeze %dma_wait3A_368 : memref<1x125x64xf32, #tpu.memory_space<vmem>> -> memref<125x64xf32, #tpu.memory_space<vmem>>
      %dma_wait3A_370 = arith.constant 0 : i32
      %dma_wait3A_371 = arith.constant 0 : i32
      %dma_wait3A_372 = tpu.memref_slice %arg10[%dma_wait3A_370, %dma_wait3A_371] : memref<10240x64xf32, #tpu.memory_space<vmem_shared>> -> memref<125x64xf32, #tpu.memory_space<vmem_shared>>
      %dma_wait3A_373 = arith.constant 0 : i32
      %dma_wait3A_374 = arith.constant 0 : i32
      %dma_wait3A_375 = tpu.memref_slice %arg10[%dma_wait3A_373, %dma_wait3A_374] : memref<10240x64xf32, #tpu.memory_space<vmem_shared>> -> memref<125x64xf32, #tpu.memory_space<vmem_shared>>
      %dma_wait3A_376 = arith.constant 0 : i32
      %dma_wait3A_377 = arith.constant 0 : i32
      %dma_wait3A_378 = tpu.memref_slice %arg8[%dma_wait3A_365, %dma_wait3A_376, %dma_wait3A_377] : memref<4x125x64xf32, #tpu.memory_space<vmem>> -> memref<1x125x64xf32, #tpu.memory_space<vmem>>
      %dma_wait3A_379 = tpu.memref_squeeze %dma_wait3A_378 : memref<1x125x64xf32, #tpu.memory_space<vmem>> -> memref<125x64xf32, #tpu.memory_space<vmem>>
      tpu.wait_dma2 semaphore(%arg15 : memref<!tpu.dma_semaphore, #tpu.memory_space<semaphore_mem>>) src(%dma_wait3A_379 : memref<125x64xf32, #tpu.memory_space<vmem>>) dst(%dma_wait3A_375 : memref<125x64xf32, #tpu.memory_space<vmem_shared>>)
      %add3A_380 = arith.constant 4 : i32
      %add3A_381 = arith.addi %mul3A_252, %add3A_380 : i32
      %add3A_382 = arith.constant 0 : i32
      %add3A_383 = arith.addi %add3A_381, %add3A_382 : i32
      %dma_start3A_384 = arith.constant 0 : i32
      %dma_start3A_385 = arith.constant 0 : i32
      %dma_start3A_386 = arith.constant 0 : i32
      %dma_start3A_387 = tpu.memref_slice %arg8[%dma_start3A_384, %dma_start3A_385, %dma_start3A_386] : memref<4x125x64xf32, #tpu.memory_space<vmem>> -> memref<1x125x64xf32, #tpu.memory_space<vmem>>
      %dma_start3A_388 = tpu.memref_squeeze %dma_start3A_387 : memref<1x125x64xf32, #tpu.memory_space<vmem>> -> memref<125x64xf32, #tpu.memory_space<vmem>>
      %dma_start3A_389 = arith.constant 0 : i32
      %dma_start3A_390 = tpu.memref_slice %arg6[%add3A_383, %dma_start3A_389] : memref<160x125xi32, #tpu.memory_space<vmem>> -> memref<1x125xi32, #tpu.memory_space<vmem>>
      %dma_start3A_391 = tpu.memref_squeeze %dma_start3A_390 : memref<1x125xi32, #tpu.memory_space<vmem>> -> memref<125xi32, #tpu.memory_space<vmem>>
      %dma_start3A_392 = arith.constant 0 : i32
      %dma_start3A_393 = arith.constant 0 : i32
      %dma_start3A_394 = tpu.memref_slice %arg2[%dma_start3A_392, %dma_start3A_393] : memref<20000x64xf32, #tpu.memory_space<hbm>> -> memref<20000x64xf32, #tpu.memory_space<hbm>>
      tpu.enqueue_indirect_dma source(%dma_start3A_394 : memref<20000x64xf32, #tpu.memory_space<hbm>>) target(%dma_start3A_388 : memref<125x64xf32, #tpu.memory_space<vmem>>) offsets(%dma_start3A_391 : memref<125xi32, #tpu.memory_space<vmem>>) semaphore(%arg11 : memref<!tpu.dma_semaphore, #tpu.memory_space<semaphore_mem>>)
      %dma_wait3A_395 = arith.constant 1 : i32
      %dma_wait3A_396 = arith.constant 0 : i32
      %dma_wait3A_397 = arith.constant 0 : i32
      %dma_wait3A_398 = tpu.memref_slice %arg8[%dma_wait3A_395, %dma_wait3A_396, %dma_wait3A_397] : memref<4x125x64xf32, #tpu.memory_space<vmem>> -> memref<1x125x64xf32, #tpu.memory_space<vmem>>
      %dma_wait3A_399 = tpu.memref_squeeze %dma_wait3A_398 : memref<1x125x64xf32, #tpu.memory_space<vmem>> -> memref<125x64xf32, #tpu.memory_space<vmem>>
      %dma_wait3A_400 = arith.constant 0 : i32
      %dma_wait3A_401 = arith.constant 0 : i32
      %dma_wait3A_402 = tpu.memref_slice %arg10[%dma_wait3A_400, %dma_wait3A_401] : memref<10240x64xf32, #tpu.memory_space<vmem_shared>> -> memref<125x64xf32, #tpu.memory_space<vmem_shared>>
      %dma_wait3A_403 = arith.constant 0 : i32
      %dma_wait3A_404 = arith.constant 0 : i32
      %dma_wait3A_405 = tpu.memref_slice %arg10[%dma_wait3A_403, %dma_wait3A_404] : memref<10240x64xf32, #tpu.memory_space<vmem_shared>> -> memref<125x64xf32, #tpu.memory_space<vmem_shared>>
      %dma_wait3A_406 = arith.constant 0 : i32
      %dma_wait3A_407 = arith.constant 0 : i32
      %dma_wait3A_408 = tpu.memref_slice %arg8[%dma_wait3A_395, %dma_wait3A_406, %dma_wait3A_407] : memref<4x125x64xf32, #tpu.memory_space<vmem>> -> memref<1x125x64xf32, #tpu.memory_space<vmem>>
      %dma_wait3A_409 = tpu.memref_squeeze %dma_wait3A_408 : memref<1x125x64xf32, #tpu.memory_space<vmem>> -> memref<125x64xf32, #tpu.memory_space<vmem>>
      tpu.wait_dma2 semaphore(%arg16 : memref<!tpu.dma_semaphore, #tpu.memory_space<semaphore_mem>>) src(%dma_wait3A_409 : memref<125x64xf32, #tpu.memory_space<vmem>>) dst(%dma_wait3A_405 : memref<125x64xf32, #tpu.memory_space<vmem_shared>>)
      %add3A_410 = arith.constant 4 : i32
      %add3A_411 = arith.addi %mul3A_252, %add3A_410 : i32
      %add3A_412 = arith.constant 1 : i32
      %add3A_413 = arith.addi %add3A_411, %add3A_412 : i32
      %dma_start3A_414 = arith.constant 1 : i32
      %dma_start3A_415 = arith.constant 0 : i32
      %dma_start3A_416 = arith.constant 0 : i32
      %dma_start3A_417 = tpu.memref_slice %arg8[%dma_start3A_414, %dma_start3A_415, %dma_start3A_416] : memref<4x125x64xf32, #tpu.memory_space<vmem>> -> memref<1x125x64xf32, #tpu.memory_space<vmem>>
      %dma_start3A_418 = tpu.memref_squeeze %dma_start3A_417 : memref<1x125x64xf32, #tpu.memory_space<vmem>> -> memref<125x64xf32, #tpu.memory_space<vmem>>
      %dma_start3A_419 = arith.constant 0 : i32
      %dma_start3A_420 = tpu.memref_slice %arg6[%add3A_413, %dma_start3A_419] : memref<160x125xi32, #tpu.memory_space<vmem>> -> memref<1x125xi32, #tpu.memory_space<vmem>>
      %dma_start3A_421 = tpu.memref_squeeze %dma_start3A_420 : memref<1x125xi32, #tpu.memory_space<vmem>> -> memref<125xi32, #tpu.memory_space<vmem>>
      %dma_start3A_422 = arith.constant 0 : i32
      %dma_start3A_423 = arith.constant 0 : i32
      %dma_start3A_424 = tpu.memref_slice %arg2[%dma_start3A_422, %dma_start3A_423] : memref<20000x64xf32, #tpu.memory_space<hbm>> -> memref<20000x64xf32, #tpu.memory_space<hbm>>
      tpu.enqueue_indirect_dma source(%dma_start3A_424 : memref<20000x64xf32, #tpu.memory_space<hbm>>) target(%dma_start3A_418 : memref<125x64xf32, #tpu.memory_space<vmem>>) offsets(%dma_start3A_421 : memref<125xi32, #tpu.memory_space<vmem>>) semaphore(%arg12 : memref<!tpu.dma_semaphore, #tpu.memory_space<semaphore_mem>>)
      %dma_wait3A_425 = arith.constant 2 : i32
      %dma_wait3A_426 = arith.constant 0 : i32
      %dma_wait3A_427 = arith.constant 0 : i32
      %dma_wait3A_428 = tpu.memref_slice %arg8[%dma_wait3A_425, %dma_wait3A_426, %dma_wait3A_427] : memref<4x125x64xf32, #tpu.memory_space<vmem>> -> memref<1x125x64xf32, #tpu.memory_space<vmem>>
      %dma_wait3A_429 = tpu.memref_squeeze %dma_wait3A_428 : memref<1x125x64xf32, #tpu.memory_space<vmem>> -> memref<125x64xf32, #tpu.memory_space<vmem>>
      %dma_wait3A_430 = arith.constant 0 : i32
      %dma_wait3A_431 = arith.constant 0 : i32
      %dma_wait3A_432 = tpu.memref_slice %arg10[%dma_wait3A_430, %dma_wait3A_431] : memref<10240x64xf32, #tpu.memory_space<vmem_shared>> -> memref<125x64xf32, #tpu.memory_space<vmem_shared>>
      %dma_wait3A_433 = arith.constant 0 : i32
      %dma_wait3A_434 = arith.constant 0 : i32
      %dma_wait3A_435 = tpu.memref_slice %arg10[%dma_wait3A_433, %dma_wait3A_434] : memref<10240x64xf32, #tpu.memory_space<vmem_shared>> -> memref<125x64xf32, #tpu.memory_space<vmem_shared>>
      %dma_wait3A_436 = arith.constant 0 : i32
      %dma_wait3A_437 = arith.constant 0 : i32
      %dma_wait3A_438 = tpu.memref_slice %arg8[%dma_wait3A_425, %dma_wait3A_436, %dma_wait3A_437] : memref<4x125x64xf32, #tpu.memory_space<vmem>> -> memref<1x125x64xf32, #tpu.memory_space<vmem>>
      %dma_wait3A_439 = tpu.memref_squeeze %dma_wait3A_438 : memref<1x125x64xf32, #tpu.memory_space<vmem>> -> memref<125x64xf32, #tpu.memory_space<vmem>>
      tpu.wait_dma2 semaphore(%arg17 : memref<!tpu.dma_semaphore, #tpu.memory_space<semaphore_mem>>) src(%dma_wait3A_439 : memref<125x64xf32, #tpu.memory_space<vmem>>) dst(%dma_wait3A_435 : memref<125x64xf32, #tpu.memory_space<vmem_shared>>)
      %add3A_440 = arith.constant 4 : i32
      %add3A_441 = arith.addi %mul3A_252, %add3A_440 : i32
      %add3A_442 = arith.constant 2 : i32
      %add3A_443 = arith.addi %add3A_441, %add3A_442 : i32
      %dma_start3A_444 = arith.constant 2 : i32
      %dma_start3A_445 = arith.constant 0 : i32
      %dma_start3A_446 = arith.constant 0 : i32
      %dma_start3A_447 = tpu.memref_slice %arg8[%dma_start3A_444, %dma_start3A_445, %dma_start3A_446] : memref<4x125x64xf32, #tpu.memory_space<vmem>> -> memref<1x125x64xf32, #tpu.memory_space<vmem>>
      %dma_start3A_448 = tpu.memref_squeeze %dma_start3A_447 : memref<1x125x64xf32, #tpu.memory_space<vmem>> -> memref<125x64xf32, #tpu.memory_space<vmem>>
      %dma_start3A_449 = arith.constant 0 : i32
      %dma_start3A_450 = tpu.memref_slice %arg6[%add3A_443, %dma_start3A_449] : memref<160x125xi32, #tpu.memory_space<vmem>> -> memref<1x125xi32, #tpu.memory_space<vmem>>
      %dma_start3A_451 = tpu.memref_squeeze %dma_start3A_450 : memref<1x125xi32, #tpu.memory_space<vmem>> -> memref<125xi32, #tpu.memory_space<vmem>>
      %dma_start3A_452 = arith.constant 0 : i32
      %dma_start3A_453 = arith.constant 0 : i32
      %dma_start3A_454 = tpu.memref_slice %arg2[%dma_start3A_452, %dma_start3A_453] : memref<20000x64xf32, #tpu.memory_space<hbm>> -> memref<20000x64xf32, #tpu.memory_space<hbm>>
      tpu.enqueue_indirect_dma source(%dma_start3A_454 : memref<20000x64xf32, #tpu.memory_space<hbm>>) target(%dma_start3A_448 : memref<125x64xf32, #tpu.memory_space<vmem>>) offsets(%dma_start3A_451 : memref<125xi32, #tpu.memory_space<vmem>>) semaphore(%arg13 : memref<!tpu.dma_semaphore, #tpu.memory_space<semaphore_mem>>)
      %dma_wait3A_455 = arith.constant 3 : i32
      %dma_wait3A_456 = arith.constant 0 : i32
      %dma_wait3A_457 = arith.constant 0 : i32
      %dma_wait3A_458 = tpu.memref_slice %arg8[%dma_wait3A_455, %dma_wait3A_456, %dma_wait3A_457] : memref<4x125x64xf32, #tpu.memory_space<vmem>> -> memref<1x125x64xf32, #tpu.memory_space<vmem>>
      %dma_wait3A_459 = tpu.memref_squeeze %dma_wait3A_458 : memref<1x125x64xf32, #tpu.memory_space<vmem>> -> memref<125x64xf32, #tpu.memory_space<vmem>>
      %dma_wait3A_460 = arith.constant 0 : i32
      %dma_wait3A_461 = arith.constant 0 : i32
      %dma_wait3A_462 = tpu.memref_slice %arg10[%dma_wait3A_460, %dma_wait3A_461] : memref<10240x64xf32, #tpu.memory_space<vmem_shared>> -> memref<125x64xf32, #tpu.memory_space<vmem_shared>>
      %dma_wait3A_463 = arith.constant 0 : i32
      %dma_wait3A_464 = arith.constant 0 : i32
      %dma_wait3A_465 = tpu.memref_slice %arg10[%dma_wait3A_463, %dma_wait3A_464] : memref<10240x64xf32, #tpu.memory_space<vmem_shared>> -> memref<125x64xf32, #tpu.memory_space<vmem_shared>>
      %dma_wait3A_466 = arith.constant 0 : i32
      %dma_wait3A_467 = arith.constant 0 : i32
      %dma_wait3A_468 = tpu.memref_slice %arg8[%dma_wait3A_455, %dma_wait3A_466, %dma_wait3A_467] : memref<4x125x64xf32, #tpu.memory_space<vmem>> -> memref<1x125x64xf32, #tpu.memory_space<vmem>>
      %dma_wait3A_469 = tpu.memref_squeeze %dma_wait3A_468 : memref<1x125x64xf32, #tpu.memory_space<vmem>> -> memref<125x64xf32, #tpu.memory_space<vmem>>
      tpu.wait_dma2 semaphore(%arg18 : memref<!tpu.dma_semaphore, #tpu.memory_space<semaphore_mem>>) src(%dma_wait3A_469 : memref<125x64xf32, #tpu.memory_space<vmem>>) dst(%dma_wait3A_465 : memref<125x64xf32, #tpu.memory_space<vmem_shared>>)
      %add3A_470 = arith.constant 4 : i32
      %add3A_471 = arith.addi %mul3A_252, %add3A_470 : i32
      %add3A_472 = arith.constant 3 : i32
      %add3A_473 = arith.addi %add3A_471, %add3A_472 : i32
      %dma_start3A_474 = arith.constant 3 : i32
      %dma_start3A_475 = arith.constant 0 : i32
      %dma_start3A_476 = arith.constant 0 : i32
      %dma_start3A_477 = tpu.memref_slice %arg8[%dma_start3A_474, %dma_start3A_475, %dma_start3A_476] : memref<4x125x64xf32, #tpu.memory_space<vmem>> -> memref<1x125x64xf32, #tpu.memory_space<vmem>>
      %dma_start3A_478 = tpu.memref_squeeze %dma_start3A_477 : memref<1x125x64xf32, #tpu.memory_space<vmem>> -> memref<125x64xf32, #tpu.memory_space<vmem>>
      %dma_start3A_479 = arith.constant 0 : i32
      %dma_start3A_480 = tpu.memref_slice %arg6[%add3A_473, %dma_start3A_479] : memref<160x125xi32, #tpu.memory_space<vmem>> -> memref<1x125xi32, #tpu.memory_space<vmem>>
      %dma_start3A_481 = tpu.memref_squeeze %dma_start3A_480 : memref<1x125xi32, #tpu.memory_space<vmem>> -> memref<125xi32, #tpu.memory_space<vmem>>
      %dma_start3A_482 = arith.constant 0 : i32
      %dma_start3A_483 = arith.constant 0 : i32
      %dma_start3A_484 = tpu.memref_slice %arg2[%dma_start3A_482, %dma_start3A_483] : memref<20000x64xf32, #tpu.memory_space<hbm>> -> memref<20000x64xf32, #tpu.memory_space<hbm>>
      tpu.enqueue_indirect_dma source(%dma_start3A_484 : memref<20000x64xf32, #tpu.memory_space<hbm>>) target(%dma_start3A_478 : memref<125x64xf32, #tpu.memory_space<vmem>>) offsets(%dma_start3A_481 : memref<125xi32, #tpu.memory_space<vmem>>) semaphore(%arg14 : memref<!tpu.dma_semaphore, #tpu.memory_space<semaphore_mem>>)
    }
    %scan3A_75 = arith.constant 39 : i32
    %dma_wait3A = arith.constant 0 : i32
    %dma_wait3A_76 = arith.constant 0 : i32
    %dma_wait3A_77 = arith.constant 0 : i32
    %dma_wait3A_78 = tpu.memref_slice %arg8[%dma_wait3A, %dma_wait3A_76, %dma_wait3A_77] : memref<4x125x64xf32, #tpu.memory_space<vmem>> -> memref<1x125x64xf32, #tpu.memory_space<vmem>>
    %dma_wait3A_79 = tpu.memref_squeeze %dma_wait3A_78 : memref<1x125x64xf32, #tpu.memory_space<vmem>> -> memref<125x64xf32, #tpu.memory_space<vmem>>
    %dma_wait3A_80 = arith.constant 0 : i32
    %dma_wait3A_81 = arith.constant 0 : i32
    %dma_wait3A_82 = tpu.memref_slice %arg2[%dma_wait3A_80, %dma_wait3A_81] : memref<20000x64xf32, #tpu.memory_space<hbm>> -> memref<125x64xf32, #tpu.memory_space<hbm>>
    %dma_wait3A_83 = arith.constant 0 : i32
    %dma_wait3A_84 = arith.constant 0 : i32
    %dma_wait3A_85 = tpu.memref_slice %arg8[%dma_wait3A, %dma_wait3A_83, %dma_wait3A_84] : memref<4x125x64xf32, #tpu.memory_space<vmem>> -> memref<1x125x64xf32, #tpu.memory_space<vmem>>
    %dma_wait3A_86 = tpu.memref_squeeze %dma_wait3A_85 : memref<1x125x64xf32, #tpu.memory_space<vmem>> -> memref<125x64xf32, #tpu.memory_space<vmem>>
    %dma_wait3A_87 = arith.constant 0 : i32
    %dma_wait3A_88 = arith.constant 0 : i32
    %dma_wait3A_89 = tpu.memref_slice %arg2[%dma_wait3A_87, %dma_wait3A_88] : memref<20000x64xf32, #tpu.memory_space<hbm>> -> memref<125x64xf32, #tpu.memory_space<hbm>>
    tpu.wait_dma2 semaphore(%arg11 : memref<!tpu.dma_semaphore, #tpu.memory_space<semaphore_mem>>) src(%dma_wait3A_89 : memref<125x64xf32, #tpu.memory_space<hbm>>) dst(%dma_wait3A_86 : memref<125x64xf32, #tpu.memory_space<vmem>>)
    %dma_start3A_90 = arith.constant 0 : i32
    %dma_start3A_91 = arith.constant 156 : i32
    %dma_start3A_92 = arith.constant 0 : i32
    %dma_start3A_93 = arith.constant 0 : i32
    %dma_start3A_94 = tpu.memref_slice %arg8[%dma_start3A_90, %dma_start3A_92, %dma_start3A_93] : memref<4x125x64xf32, #tpu.memory_space<vmem>> -> memref<1x125x64xf32, #tpu.memory_space<vmem>>
    %dma_start3A_95 = tpu.memref_squeeze %dma_start3A_94 : memref<1x125x64xf32, #tpu.memory_space<vmem>> -> memref<125x64xf32, #tpu.memory_space<vmem>>
    %dma_start3A_96 = arith.constant 0 : i32
    %dma_start3A_97 = tpu.memref_slice %arg7[%dma_start3A_91, %dma_start3A_96] : memref<160x125xi32, #tpu.memory_space<vmem>> -> memref<1x125xi32, #tpu.memory_space<vmem>>
    %dma_start3A_98 = tpu.memref_squeeze %dma_start3A_97 : memref<1x125xi32, #tpu.memory_space<vmem>> -> memref<125xi32, #tpu.memory_space<vmem>>
    %dma_start3A_99 = arith.constant 0 : i32
    %dma_start3A_100 = arith.constant 0 : i32
    %dma_start3A_101 = tpu.memref_slice %arg10[%dma_start3A_99, %dma_start3A_100] : memref<10240x64xf32, #tpu.memory_space<vmem_shared>> -> memref<10240x64xf32, #tpu.memory_space<vmem_shared>>
    tpu.enqueue_indirect_dma source(%dma_start3A_95 : memref<125x64xf32, #tpu.memory_space<vmem>>) target(%dma_start3A_101 : memref<10240x64xf32, #tpu.memory_space<vmem_shared>>) offsets(%dma_start3A_98 : memref<125xi32, #tpu.memory_space<vmem>>) semaphore(%arg15 : memref<!tpu.dma_semaphore, #tpu.memory_space<semaphore_mem>>) {add = true}
    %dma_wait3A_102 = arith.constant 1 : i32
    %dma_wait3A_103 = arith.constant 0 : i32
    %dma_wait3A_104 = arith.constant 0 : i32
    %dma_wait3A_105 = tpu.memref_slice %arg8[%dma_wait3A_102, %dma_wait3A_103, %dma_wait3A_104] : memref<4x125x64xf32, #tpu.memory_space<vmem>> -> memref<1x125x64xf32, #tpu.memory_space<vmem>>
    %dma_wait3A_106 = tpu.memref_squeeze %dma_wait3A_105 : memref<1x125x64xf32, #tpu.memory_space<vmem>> -> memref<125x64xf32, #tpu.memory_space<vmem>>
    %dma_wait3A_107 = arith.constant 0 : i32
    %dma_wait3A_108 = arith.constant 0 : i32
    %dma_wait3A_109 = tpu.memref_slice %arg2[%dma_wait3A_107, %dma_wait3A_108] : memref<20000x64xf32, #tpu.memory_space<hbm>> -> memref<125x64xf32, #tpu.memory_space<hbm>>
    %dma_wait3A_110 = arith.constant 0 : i32
    %dma_wait3A_111 = arith.constant 0 : i32
    %dma_wait3A_112 = tpu.memref_slice %arg8[%dma_wait3A_102, %dma_wait3A_110, %dma_wait3A_111] : memref<4x125x64xf32, #tpu.memory_space<vmem>> -> memref<1x125x64xf32, #tpu.memory_space<vmem>>
    %dma_wait3A_113 = tpu.memref_squeeze %dma_wait3A_112 : memref<1x125x64xf32, #tpu.memory_space<vmem>> -> memref<125x64xf32, #tpu.memory_space<vmem>>
    %dma_wait3A_114 = arith.constant 0 : i32
    %dma_wait3A_115 = arith.constant 0 : i32
    %dma_wait3A_116 = tpu.memref_slice %arg2[%dma_wait3A_114, %dma_wait3A_115] : memref<20000x64xf32, #tpu.memory_space<hbm>> -> memref<125x64xf32, #tpu.memory_space<hbm>>
    tpu.wait_dma2 semaphore(%arg12 : memref<!tpu.dma_semaphore, #tpu.memory_space<semaphore_mem>>) src(%dma_wait3A_116 : memref<125x64xf32, #tpu.memory_space<hbm>>) dst(%dma_wait3A_113 : memref<125x64xf32, #tpu.memory_space<vmem>>)
    %dma_start3A_117 = arith.constant 1 : i32
    %dma_start3A_118 = arith.constant 157 : i32
    %dma_start3A_119 = arith.constant 0 : i32
    %dma_start3A_120 = arith.constant 0 : i32
    %dma_start3A_121 = tpu.memref_slice %arg8[%dma_start3A_117, %dma_start3A_119, %dma_start3A_120] : memref<4x125x64xf32, #tpu.memory_space<vmem>> -> memref<1x125x64xf32, #tpu.memory_space<vmem>>
    %dma_start3A_122 = tpu.memref_squeeze %dma_start3A_121 : memref<1x125x64xf32, #tpu.memory_space<vmem>> -> memref<125x64xf32, #tpu.memory_space<vmem>>
    %dma_start3A_123 = arith.constant 0 : i32
    %dma_start3A_124 = tpu.memref_slice %arg7[%dma_start3A_118, %dma_start3A_123] : memref<160x125xi32, #tpu.memory_space<vmem>> -> memref<1x125xi32, #tpu.memory_space<vmem>>
    %dma_start3A_125 = tpu.memref_squeeze %dma_start3A_124 : memref<1x125xi32, #tpu.memory_space<vmem>> -> memref<125xi32, #tpu.memory_space<vmem>>
    %dma_start3A_126 = arith.constant 0 : i32
    %dma_start3A_127 = arith.constant 0 : i32
    %dma_start3A_128 = tpu.memref_slice %arg10[%dma_start3A_126, %dma_start3A_127] : memref<10240x64xf32, #tpu.memory_space<vmem_shared>> -> memref<10240x64xf32, #tpu.memory_space<vmem_shared>>
    tpu.enqueue_indirect_dma source(%dma_start3A_122 : memref<125x64xf32, #tpu.memory_space<vmem>>) target(%dma_start3A_128 : memref<10240x64xf32, #tpu.memory_space<vmem_shared>>) offsets(%dma_start3A_125 : memref<125xi32, #tpu.memory_space<vmem>>) semaphore(%arg16 : memref<!tpu.dma_semaphore, #tpu.memory_space<semaphore_mem>>) {add = true}
    %dma_wait3A_129 = arith.constant 2 : i32
    %dma_wait3A_130 = arith.constant 0 : i32
    %dma_wait3A_131 = arith.constant 0 : i32
    %dma_wait3A_132 = tpu.memref_slice %arg8[%dma_wait3A_129, %dma_wait3A_130, %dma_wait3A_131] : memref<4x125x64xf32, #tpu.memory_space<vmem>> -> memref<1x125x64xf32, #tpu.memory_space<vmem>>
    %dma_wait3A_133 = tpu.memref_squeeze %dma_wait3A_132 : memref<1x125x64xf32, #tpu.memory_space<vmem>> -> memref<125x64xf32, #tpu.memory_space<vmem>>
    %dma_wait3A_134 = arith.constant 0 : i32
    %dma_wait3A_135 = arith.constant 0 : i32
    %dma_wait3A_136 = tpu.memref_slice %arg2[%dma_wait3A_134, %dma_wait3A_135] : memref<20000x64xf32, #tpu.memory_space<hbm>> -> memref<125x64xf32, #tpu.memory_space<hbm>>
    %dma_wait3A_137 = arith.constant 0 : i32
    %dma_wait3A_138 = arith.constant 0 : i32
    %dma_wait3A_139 = tpu.memref_slice %arg8[%dma_wait3A_129, %dma_wait3A_137, %dma_wait3A_138] : memref<4x125x64xf32, #tpu.memory_space<vmem>> -> memref<1x125x64xf32, #tpu.memory_space<vmem>>
    %dma_wait3A_140 = tpu.memref_squeeze %dma_wait3A_139 : memref<1x125x64xf32, #tpu.memory_space<vmem>> -> memref<125x64xf32, #tpu.memory_space<vmem>>
    %dma_wait3A_141 = arith.constant 0 : i32
    %dma_wait3A_142 = arith.constant 0 : i32
    %dma_wait3A_143 = tpu.memref_slice %arg2[%dma_wait3A_141, %dma_wait3A_142] : memref<20000x64xf32, #tpu.memory_space<hbm>> -> memref<125x64xf32, #tpu.memory_space<hbm>>
    tpu.wait_dma2 semaphore(%arg13 : memref<!tpu.dma_semaphore, #tpu.memory_space<semaphore_mem>>) src(%dma_wait3A_143 : memref<125x64xf32, #tpu.memory_space<hbm>>) dst(%dma_wait3A_140 : memref<125x64xf32, #tpu.memory_space<vmem>>)
    %dma_start3A_144 = arith.constant 2 : i32
    %dma_start3A_145 = arith.constant 158 : i32
    %dma_start3A_146 = arith.constant 0 : i32
    %dma_start3A_147 = arith.constant 0 : i32
    %dma_start3A_148 = tpu.memref_slice %arg8[%dma_start3A_144, %dma_start3A_146, %dma_start3A_147] : memref<4x125x64xf32, #tpu.memory_space<vmem>> -> memref<1x125x64xf32, #tpu.memory_space<vmem>>
    %dma_start3A_149 = tpu.memref_squeeze %dma_start3A_148 : memref<1x125x64xf32, #tpu.memory_space<vmem>> -> memref<125x64xf32, #tpu.memory_space<vmem>>
    %dma_start3A_150 = arith.constant 0 : i32
    %dma_start3A_151 = tpu.memref_slice %arg7[%dma_start3A_145, %dma_start3A_150] : memref<160x125xi32, #tpu.memory_space<vmem>> -> memref<1x125xi32, #tpu.memory_space<vmem>>
    %dma_start3A_152 = tpu.memref_squeeze %dma_start3A_151 : memref<1x125xi32, #tpu.memory_space<vmem>> -> memref<125xi32, #tpu.memory_space<vmem>>
    %dma_start3A_153 = arith.constant 0 : i32
    %dma_start3A_154 = arith.constant 0 : i32
    %dma_start3A_155 = tpu.memref_slice %arg10[%dma_start3A_153, %dma_start3A_154] : memref<10240x64xf32, #tpu.memory_space<vmem_shared>> -> memref<10240x64xf32, #tpu.memory_space<vmem_shared>>
    tpu.enqueue_indirect_dma source(%dma_start3A_149 : memref<125x64xf32, #tpu.memory_space<vmem>>) target(%dma_start3A_155 : memref<10240x64xf32, #tpu.memory_space<vmem_shared>>) offsets(%dma_start3A_152 : memref<125xi32, #tpu.memory_space<vmem>>) semaphore(%arg17 : memref<!tpu.dma_semaphore, #tpu.memory_space<semaphore_mem>>) {add = true}
    %dma_wait3A_156 = arith.constant 3 : i32
    %dma_wait3A_157 = arith.constant 0 : i32
    %dma_wait3A_158 = arith.constant 0 : i32
    %dma_wait3A_159 = tpu.memref_slice %arg8[%dma_wait3A_156, %dma_wait3A_157, %dma_wait3A_158] : memref<4x125x64xf32, #tpu.memory_space<vmem>> -> memref<1x125x64xf32, #tpu.memory_space<vmem>>
    %dma_wait3A_160 = tpu.memref_squeeze %dma_wait3A_159 : memref<1x125x64xf32, #tpu.memory_space<vmem>> -> memref<125x64xf32, #tpu.memory_space<vmem>>
    %dma_wait3A_161 = arith.constant 0 : i32
    %dma_wait3A_162 = arith.constant 0 : i32
    %dma_wait3A_163 = tpu.memref_slice %arg2[%dma_wait3A_161, %dma_wait3A_162] : memref<20000x64xf32, #tpu.memory_space<hbm>> -> memref<125x64xf32, #tpu.memory_space<hbm>>
    %dma_wait3A_164 = arith.constant 0 : i32
    %dma_wait3A_165 = arith.constant 0 : i32
    %dma_wait3A_166 = tpu.memref_slice %arg8[%dma_wait3A_156, %dma_wait3A_164, %dma_wait3A_165] : memref<4x125x64xf32, #tpu.memory_space<vmem>> -> memref<1x125x64xf32, #tpu.memory_space<vmem>>
    %dma_wait3A_167 = tpu.memref_squeeze %dma_wait3A_166 : memref<1x125x64xf32, #tpu.memory_space<vmem>> -> memref<125x64xf32, #tpu.memory_space<vmem>>
    %dma_wait3A_168 = arith.constant 0 : i32
    %dma_wait3A_169 = arith.constant 0 : i32
    %dma_wait3A_170 = tpu.memref_slice %arg2[%dma_wait3A_168, %dma_wait3A_169] : memref<20000x64xf32, #tpu.memory_space<hbm>> -> memref<125x64xf32, #tpu.memory_space<hbm>>
    tpu.wait_dma2 semaphore(%arg14 : memref<!tpu.dma_semaphore, #tpu.memory_space<semaphore_mem>>) src(%dma_wait3A_170 : memref<125x64xf32, #tpu.memory_space<hbm>>) dst(%dma_wait3A_167 : memref<125x64xf32, #tpu.memory_space<vmem>>)
    %dma_start3A_171 = arith.constant 3 : i32
    %dma_start3A_172 = arith.constant 159 : i32
    %dma_start3A_173 = arith.constant 0 : i32
    %dma_start3A_174 = arith.constant 0 : i32
    %dma_start3A_175 = tpu.memref_slice %arg8[%dma_start3A_171, %dma_start3A_173, %dma_start3A_174] : memref<4x125x64xf32, #tpu.memory_space<vmem>> -> memref<1x125x64xf32, #tpu.memory_space<vmem>>
    %dma_start3A_176 = tpu.memref_squeeze %dma_start3A_175 : memref<1x125x64xf32, #tpu.memory_space<vmem>> -> memref<125x64xf32, #tpu.memory_space<vmem>>
    %dma_start3A_177 = arith.constant 0 : i32
    %dma_start3A_178 = tpu.memref_slice %arg7[%dma_start3A_172, %dma_start3A_177] : memref<160x125xi32, #tpu.memory_space<vmem>> -> memref<1x125xi32, #tpu.memory_space<vmem>>
    %dma_start3A_179 = tpu.memref_squeeze %dma_start3A_178 : memref<1x125xi32, #tpu.memory_space<vmem>> -> memref<125xi32, #tpu.memory_space<vmem>>
    %dma_start3A_180 = arith.constant 0 : i32
    %dma_start3A_181 = arith.constant 0 : i32
    %dma_start3A_182 = tpu.memref_slice %arg10[%dma_start3A_180, %dma_start3A_181] : memref<10240x64xf32, #tpu.memory_space<vmem_shared>> -> memref<10240x64xf32, #tpu.memory_space<vmem_shared>>
    tpu.enqueue_indirect_dma source(%dma_start3A_176 : memref<125x64xf32, #tpu.memory_space<vmem>>) target(%dma_start3A_182 : memref<10240x64xf32, #tpu.memory_space<vmem_shared>>) offsets(%dma_start3A_179 : memref<125xi32, #tpu.memory_space<vmem>>) semaphore(%arg18 : memref<!tpu.dma_semaphore, #tpu.memory_space<semaphore_mem>>) {add = true}
    %dma_wait3A_183 = arith.constant 0 : i32
    %dma_wait3A_184 = arith.constant 0 : i32
    %dma_wait3A_185 = arith.constant 0 : i32
    %dma_wait3A_186 = tpu.memref_slice %arg8[%dma_wait3A_183, %dma_wait3A_184, %dma_wait3A_185] : memref<4x125x64xf32, #tpu.memory_space<vmem>> -> memref<1x125x64xf32, #tpu.memory_space<vmem>>
    %dma_wait3A_187 = tpu.memref_squeeze %dma_wait3A_186 : memref<1x125x64xf32, #tpu.memory_space<vmem>> -> memref<125x64xf32, #tpu.memory_space<vmem>>
    %dma_wait3A_188 = arith.constant 0 : i32
    %dma_wait3A_189 = arith.constant 0 : i32
    %dma_wait3A_190 = tpu.memref_slice %arg10[%dma_wait3A_188, %dma_wait3A_189] : memref<10240x64xf32, #tpu.memory_space<vmem_shared>> -> memref<125x64xf32, #tpu.memory_space<vmem_shared>>
    %dma_wait3A_191 = arith.constant 0 : i32
    %dma_wait3A_192 = arith.constant 0 : i32
    %dma_wait3A_193 = tpu.memref_slice %arg10[%dma_wait3A_191, %dma_wait3A_192] : memref<10240x64xf32, #tpu.memory_space<vmem_shared>> -> memref<125x64xf32, #tpu.memory_space<vmem_shared>>
    %dma_wait3A_194 = arith.constant 0 : i32
    %dma_wait3A_195 = arith.constant 0 : i32
    %dma_wait3A_196 = tpu.memref_slice %arg8[%dma_wait3A_183, %dma_wait3A_194, %dma_wait3A_195] : memref<4x125x64xf32, #tpu.memory_space<vmem>> -> memref<1x125x64xf32, #tpu.memory_space<vmem>>
    %dma_wait3A_197 = tpu.memref_squeeze %dma_wait3A_196 : memref<1x125x64xf32, #tpu.memory_space<vmem>> -> memref<125x64xf32, #tpu.memory_space<vmem>>
    tpu.wait_dma2 semaphore(%arg15 : memref<!tpu.dma_semaphore, #tpu.memory_space<semaphore_mem>>) src(%dma_wait3A_197 : memref<125x64xf32, #tpu.memory_space<vmem>>) dst(%dma_wait3A_193 : memref<125x64xf32, #tpu.memory_space<vmem_shared>>)
    %dma_wait3A_198 = arith.constant 1 : i32
    %dma_wait3A_199 = arith.constant 0 : i32
    %dma_wait3A_200 = arith.constant 0 : i32
    %dma_wait3A_201 = tpu.memref_slice %arg8[%dma_wait3A_198, %dma_wait3A_199, %dma_wait3A_200] : memref<4x125x64xf32, #tpu.memory_space<vmem>> -> memref<1x125x64xf32, #tpu.memory_space<vmem>>
    %dma_wait3A_202 = tpu.memref_squeeze %dma_wait3A_201 : memref<1x125x64xf32, #tpu.memory_space<vmem>> -> memref<125x64xf32, #tpu.memory_space<vmem>>
    %dma_wait3A_203 = arith.constant 0 : i32
    %dma_wait3A_204 = arith.constant 0 : i32
    %dma_wait3A_205 = tpu.memref_slice %arg10[%dma_wait3A_203, %dma_wait3A_204] : memref<10240x64xf32, #tpu.memory_space<vmem_shared>> -> memref<125x64xf32, #tpu.memory_space<vmem_shared>>
    %dma_wait3A_206 = arith.constant 0 : i32
    %dma_wait3A_207 = arith.constant 0 : i32
    %dma_wait3A_208 = tpu.memref_slice %arg10[%dma_wait3A_206, %dma_wait3A_207] : memref<10240x64xf32, #tpu.memory_space<vmem_shared>> -> memref<125x64xf32, #tpu.memory_space<vmem_shared>>
    %dma_wait3A_209 = arith.constant 0 : i32
    %dma_wait3A_210 = arith.constant 0 : i32
    %dma_wait3A_211 = tpu.memref_slice %arg8[%dma_wait3A_198, %dma_wait3A_209, %dma_wait3A_210] : memref<4x125x64xf32, #tpu.memory_space<vmem>> -> memref<1x125x64xf32, #tpu.memory_space<vmem>>
    %dma_wait3A_212 = tpu.memref_squeeze %dma_wait3A_211 : memref<1x125x64xf32, #tpu.memory_space<vmem>> -> memref<125x64xf32, #tpu.memory_space<vmem>>
    tpu.wait_dma2 semaphore(%arg16 : memref<!tpu.dma_semaphore, #tpu.memory_space<semaphore_mem>>) src(%dma_wait3A_212 : memref<125x64xf32, #tpu.memory_space<vmem>>) dst(%dma_wait3A_208 : memref<125x64xf32, #tpu.memory_space<vmem_shared>>)
    %dma_wait3A_213 = arith.constant 2 : i32
    %dma_wait3A_214 = arith.constant 0 : i32
    %dma_wait3A_215 = arith.constant 0 : i32
    %dma_wait3A_216 = tpu.memref_slice %arg8[%dma_wait3A_213, %dma_wait3A_214, %dma_wait3A_215] : memref<4x125x64xf32, #tpu.memory_space<vmem>> -> memref<1x125x64xf32, #tpu.memory_space<vmem>>
    %dma_wait3A_217 = tpu.memref_squeeze %dma_wait3A_216 : memref<1x125x64xf32, #tpu.memory_space<vmem>> -> memref<125x64xf32, #tpu.memory_space<vmem>>
    %dma_wait3A_218 = arith.constant 0 : i32
    %dma_wait3A_219 = arith.constant 0 : i32
    %dma_wait3A_220 = tpu.memref_slice %arg10[%dma_wait3A_218, %dma_wait3A_219] : memref<10240x64xf32, #tpu.memory_space<vmem_shared>> -> memref<125x64xf32, #tpu.memory_space<vmem_shared>>
    %dma_wait3A_221 = arith.constant 0 : i32
    %dma_wait3A_222 = arith.constant 0 : i32
    %dma_wait3A_223 = tpu.memref_slice %arg10[%dma_wait3A_221, %dma_wait3A_222] : memref<10240x64xf32, #tpu.memory_space<vmem_shared>> -> memref<125x64xf32, #tpu.memory_space<vmem_shared>>
    %dma_wait3A_224 = arith.constant 0 : i32
    %dma_wait3A_225 = arith.constant 0 : i32
    %dma_wait3A_226 = tpu.memref_slice %arg8[%dma_wait3A_213, %dma_wait3A_224, %dma_wait3A_225] : memref<4x125x64xf32, #tpu.memory_space<vmem>> -> memref<1x125x64xf32, #tpu.memory_space<vmem>>
    %dma_wait3A_227 = tpu.memref_squeeze %dma_wait3A_226 : memref<1x125x64xf32, #tpu.memory_space<vmem>> -> memref<125x64xf32, #tpu.memory_space<vmem>>
    tpu.wait_dma2 semaphore(%arg17 : memref<!tpu.dma_semaphore, #tpu.memory_space<semaphore_mem>>) src(%dma_wait3A_227 : memref<125x64xf32, #tpu.memory_space<vmem>>) dst(%dma_wait3A_223 : memref<125x64xf32, #tpu.memory_space<vmem_shared>>)
    %dma_wait3A_228 = arith.constant 3 : i32
    %dma_wait3A_229 = arith.constant 0 : i32
    %dma_wait3A_230 = arith.constant 0 : i32
    %dma_wait3A_231 = tpu.memref_slice %arg8[%dma_wait3A_228, %dma_wait3A_229, %dma_wait3A_230] : memref<4x125x64xf32, #tpu.memory_space<vmem>> -> memref<1x125x64xf32, #tpu.memory_space<vmem>>
    %dma_wait3A_232 = tpu.memref_squeeze %dma_wait3A_231 : memref<1x125x64xf32, #tpu.memory_space<vmem>> -> memref<125x64xf32, #tpu.memory_space<vmem>>
    %dma_wait3A_233 = arith.constant 0 : i32
    %dma_wait3A_234 = arith.constant 0 : i32
    %dma_wait3A_235 = tpu.memref_slice %arg10[%dma_wait3A_233, %dma_wait3A_234] : memref<10240x64xf32, #tpu.memory_space<vmem_shared>> -> memref<125x64xf32, #tpu.memory_space<vmem_shared>>
    %dma_wait3A_236 = arith.constant 0 : i32
    %dma_wait3A_237 = arith.constant 0 : i32
    %dma_wait3A_238 = tpu.memref_slice %arg10[%dma_wait3A_236, %dma_wait3A_237] : memref<10240x64xf32, #tpu.memory_space<vmem_shared>> -> memref<125x64xf32, #tpu.memory_space<vmem_shared>>
    %dma_wait3A_239 = arith.constant 0 : i32
    %dma_wait3A_240 = arith.constant 0 : i32
    %dma_wait3A_241 = tpu.memref_slice %arg8[%dma_wait3A_228, %dma_wait3A_239, %dma_wait3A_240] : memref<4x125x64xf32, #tpu.memory_space<vmem>> -> memref<1x125x64xf32, #tpu.memory_space<vmem>>
    %dma_wait3A_242 = tpu.memref_squeeze %dma_wait3A_241 : memref<1x125x64xf32, #tpu.memory_space<vmem>> -> memref<125x64xf32, #tpu.memory_space<vmem>>
    tpu.wait_dma2 semaphore(%arg18 : memref<!tpu.dma_semaphore, #tpu.memory_space<semaphore_mem>>) src(%dma_wait3A_242 : memref<125x64xf32, #tpu.memory_space<vmem>>) dst(%dma_wait3A_238 : memref<125x64xf32, #tpu.memory_space<vmem_shared>>)
    %barrier3A_243 = arith.constant 0 : index
    tpu.barrier barrier_id(%barrier3A_243)
    %mul3A_244 = arith.constant 640 : i32
    %mul3A_245 = arith.muli %arg1, %mul3A_244 : i32
    %mul3A_246 = arith.constant 640 : i32
    %mul3A_247 = arith.muli %arg1, %mul3A_246 : i32
    %mul3A_248 = arith.constant 64 : i32
    %mul3A_249 = arith.muli %arg0, %mul3A_248 : i32
    "tpu.region"() ({
      %run_scoped3A = tpu.sem_alloc : memref<!tpu.dma_semaphore, #tpu.memory_space<semaphore_mem>>
      %dma_start3A_250 = tpu.memref_slice %arg5[%mul3A_247, %mul3A_249] : memref<10240x128xf32, #tpu.memory_space<hbm>> -> memref<640x64xf32, #tpu.memory_space<hbm>>
      %dma_start3A_251 = arith.constant 0 : i32
      %dma_start3A_252 = tpu.memref_slice %arg10[%mul3A_245, %dma_start3A_251] : memref<10240x64xf32, #tpu.memory_space<vmem_shared>> -> memref<640x64xf32, #tpu.memory_space<vmem_shared>>
      tpu.enqueue_dma source(%dma_start3A_252 : memref<640x64xf32, #tpu.memory_space<vmem_shared>>) target(%dma_start3A_250 : memref<640x64xf32, #tpu.memory_space<hbm>>) target_semaphore(%run_scoped3A : memref<!tpu.dma_semaphore, #tpu.memory_space<semaphore_mem>>)
      %dma_wait3A_253 = tpu.memref_slice %arg5[%mul3A_247, %mul3A_249] : memref<10240x128xf32, #tpu.memory_space<hbm>> -> memref<640x64xf32, #tpu.memory_space<hbm>>
      %dma_wait3A_254 = arith.constant 0 : i32
      %dma_wait3A_255 = tpu.memref_slice %arg10[%mul3A_245, %dma_wait3A_254] : memref<10240x64xf32, #tpu.memory_space<vmem_shared>> -> memref<640x64xf32, #tpu.memory_space<vmem_shared>>
      tpu.wait_dma2 semaphore(%run_scoped3A : memref<!tpu.dma_semaphore, #tpu.memory_space<semaphore_mem>>) src(%dma_wait3A_255 : memref<640x64xf32, #tpu.memory_space<vmem_shared>>) dst(%dma_wait3A_253 : memref<640x64xf32, #tpu.memory_space<hbm>>)
      tpu.yield
    }) : () -> ()
    return
  }
}

module attributes {stable_mosaic.version = 14 : i64} {
  func.func @_tc_body(%arg0: i32, %arg1: i32, %arg2: memref<1000x128xf32, #tpu.memory_space<vmem>>, %arg3: memref<1000x128xf32, #tpu.memory_space<vmem>>, %arg4: memref<128x256xf32, #tpu.memory_space<vmem>>, %arg5: memref<256xf32, #tpu.memory_space<vmem>>, %arg6: memref<256x256xf32, #tpu.memory_space<vmem>>, %arg7: memref<256x256xf32, #tpu.memory_space<vmem>>, %arg8: memref<256x128xf32, #tpu.memory_space<vmem>>, %arg9: memref<128xf32, #tpu.memory_space<vmem>>, %arg10: memref<1x1xf32, #tpu.memory_space<vmem>>, %arg11: memref<256xf32, #tpu.memory_space<vmem>>, %arg12: memref<256xf32, #tpu.memory_space<vmem>>, %arg13: memref<256xf32, #tpu.memory_space<vmem>>, %arg14: memref<256xf32, #tpu.memory_space<vmem>>, %arg15: memref<1000x128xf32, #tpu.memory_space<vmem>>, %arg16: memref<10000x256xf32, #tpu.memory_space<vmem>>, %arg17: memref<10000x256xf32, #tpu.memory_space<vmem>>, %arg18: memref<1x256xf32, #tpu.memory_space<vmem>>, %arg19: memref<1x256xf32, #tpu.memory_space<vmem>>, %arg20: memref<1x256xf32, #tpu.memory_space<vmem>>, %arg21: memref<1x256xf32, #tpu.memory_space<vmem>>, %arg22: memref<2x256xf32, #tpu.memory_space<vmem>>, %arg23: memref<2x256xf32, #tpu.memory_space<vmem>>) attributes {dimension_semantics = [#tpu.dimension_semantics<arbitrary>, #tpu.dimension_semantics<arbitrary>], iteration_bounds = array<i64: 3, 10>, scalar_prefetch = 0 : i64, scratch_operands = 8 : i64, tpu.core_type = #tpu.core_type<tc>, window_params = [{transform_indices = @transform_0, window_bounds = array<i64: 1000, 128>}, {transform_indices = @transform_1, window_bounds = array<i64: 1000, 128>}, {pipeline_mode = #tpu.pipeline_mode<synchronous>, transform_indices = @transform_2, window_bounds = array<i64: 128, 256>}, {pipeline_mode = #tpu.pipeline_mode<synchronous>, transform_indices = @transform_3, window_bounds = array<i64: 256>}, {pipeline_mode = #tpu.pipeline_mode<synchronous>, transform_indices = @transform_4, window_bounds = array<i64: 256, 256>}, {pipeline_mode = #tpu.pipeline_mode<synchronous>, transform_indices = @transform_5, window_bounds = array<i64: 256, 256>}, {pipeline_mode = #tpu.pipeline_mode<synchronous>, transform_indices = @transform_6, window_bounds = array<i64: 256, 128>}, {pipeline_mode = #tpu.pipeline_mode<synchronous>, transform_indices = @transform_7, window_bounds = array<i64: 128>}, {pipeline_mode = #tpu.pipeline_mode<synchronous>, transform_indices = @transform_8, window_bounds = array<i64: 1, 1>}, {pipeline_mode = #tpu.pipeline_mode<synchronous>, transform_indices = @transform_9, window_bounds = array<i64: 256>}, {pipeline_mode = #tpu.pipeline_mode<synchronous>, transform_indices = @transform_10, window_bounds = array<i64: 256>}, {pipeline_mode = #tpu.pipeline_mode<synchronous>, transform_indices = @transform_11, window_bounds = array<i64: 256>}, {pipeline_mode = #tpu.pipeline_mode<synchronous>, transform_indices = @transform_12, window_bounds = array<i64: 256>}, {transform_indices = @transform_13, window_bounds = array<i64: 1000, 128>}]} {
    %eq3A = arith.constant 0 : i32
    %eq3A_0 = arith.cmpi eq, %arg0, %eq3A : i32
    %convert_element_type3A = arith.extui %eq3A_0 : i1 to i32
    %cond3A = arith.constant 0 : i32
    %cond3A_1 = arith.cmpi ne, %convert_element_type3A, %cond3A : i32
    scf.if %cond3A_1 {
      %get3A = arith.constant 0 : index
      %get3A_12 = arith.constant 0 : index
      %get3A_13 = vector.load %arg2[%get3A, %get3A_12] : memref<1000x128xf32, #tpu.memory_space<vmem>>, vector<1000x128xf32>
      %get3A_14 = arith.constant 0 : index
      %get3A_15 = arith.constant 0 : index
      %get3A_16 = vector.load %arg10[%get3A_14, %get3A_15] : memref<1x1xf32, #tpu.memory_space<vmem>>, vector<1x1xf32>
      %get3A_17 = vector.extract %get3A_16[0, 0] : f32 from vector<1x1xf32>
      %mul3A = vector.broadcast %get3A_17 : f32 to vector<1000x128xf32>
      %mul3A_18 = arith.mulf %mul3A, %get3A_13 : vector<1000x128xf32>
      %get3A_19 = arith.constant 0 : index
      %get3A_20 = arith.constant 0 : index
      %get3A_21 = vector.load %arg3[%get3A_19, %get3A_20] : memref<1000x128xf32, #tpu.memory_space<vmem>>, vector<1000x128xf32>
      %add3A = arith.addf %mul3A_18, %get3A_21 : vector<1000x128xf32>
      %get3A_22 = arith.constant 0 : index
      %get3A_23 = arith.constant 0 : index
      %get3A_24 = vector.load %arg4[%get3A_22, %get3A_23] : memref<128x256xf32, #tpu.memory_space<vmem>>, vector<128x256xf32>
      %dot_general3A = arith.constant dense<0.000000e+00> : vector<1000x256xf32>
      %dot_general3A_25 = tpu.matmul %get3A_13, %get3A_24, %dot_general3A {dimension_numbers = #tpu.dot_dimension_numbers<[1], [0], [0], [1], [0, 0, 1, 1], [], []>, transpose_lhs_hint = false} : vector<1000x128xf32>, vector<128x256xf32>, vector<1000x256xf32> -> vector<1000x256xf32>
      %get3A_26 = arith.constant 0 : index
      %get3A_27 = vector.load %arg5[%get3A_26] : memref<256xf32, #tpu.memory_space<vmem>>, vector<256xf32>
      %broadcast_in_dim3A = vector.shape_cast %get3A_27 : vector<256xf32> to vector<1x256xf32>
      %add3A_28 = vector.broadcast %broadcast_in_dim3A : vector<1x256xf32> to vector<1000x256xf32>
      %add3A_29 = arith.addf %dot_general3A_25, %add3A_28 : vector<1000x256xf32>
      %concatenate3A = tpu.concatenate %add3A, %add3A in 1 : vector<1000x128xf32>, vector<1000x128xf32> -> vector<1000x256xf32>
      %add3A_30 = arith.addf %add3A_29, %concatenate3A : vector<1000x256xf32>
      %get3A_31 = arith.constant 0 : index
      %get3A_32 = arith.constant 0 : index
      %get3A_33 = vector.load %arg6[%get3A_31, %get3A_32] : memref<256x256xf32, #tpu.memory_space<vmem>>, vector<256x256xf32>
      %dot_general3A_34 = arith.constant dense<0.000000e+00> : vector<1000x256xf32>
      %dot_general3A_35 = tpu.matmul %add3A_30, %get3A_33, %dot_general3A_34 {dimension_numbers = #tpu.dot_dimension_numbers<[1], [0], [0], [1], [0, 0, 1, 1], [], []>, transpose_lhs_hint = false} : vector<1000x256xf32>, vector<256x256xf32>, vector<1000x256xf32> -> vector<1000x256xf32>
      %mul3A_36 = arith.constant 1000 : i32
      %mul3A_37 = arith.muli %arg1, %mul3A_36 : i32
      %swap3A = arith.index_cast %mul3A_37 : i32 to index
      %swap3A_38 = arith.constant 0 : index
      %swap3A_39 = vector.load %arg16[%swap3A, %swap3A_38] : memref<10000x256xf32, #tpu.memory_space<vmem>>, vector<1000x256xf32>
      tpu.vector_store %arg16[%swap3A, %swap3A_38], %dot_general3A_35 {strides = array<i32>} : memref<10000x256xf32, #tpu.memory_space<vmem>>, vector<1000x256xf32>,
      %reduce_sum3A = arith.constant dense<0.000000e+00> : vector<256xf32>
      %reduce_sum3A_40 = vector.multi_reduction <add>, %dot_general3A_35, %reduce_sum3A [0] : vector<1000x256xf32> to vector<256xf32>
      %broadcast_in_dim3A_41 = vector.shape_cast %reduce_sum3A_40 : vector<256xf32> to vector<1x256xf32>
      %mul3A_42 = arith.mulf %dot_general3A_35, %dot_general3A_35 : vector<1000x256xf32>
      %reduce_sum3A_43 = arith.constant dense<0.000000e+00> : vector<256xf32>
      %reduce_sum3A_44 = vector.multi_reduction <add>, %mul3A_42, %reduce_sum3A_43 [0] : vector<1000x256xf32> to vector<256xf32>
      %broadcast_in_dim3A_45 = vector.shape_cast %reduce_sum3A_44 : vector<256xf32> to vector<1x256xf32>
      %eq3A_46 = arith.constant 0 : i32
      %eq3A_47 = arith.cmpi eq, %arg1, %eq3A_46 : i32
      %convert_element_type3A_48 = arith.extui %eq3A_47 : i1 to i32
      %cond3A_49 = arith.constant 0 : i32
      %cond3A_50 = arith.cmpi ne, %convert_element_type3A_48, %cond3A_49 : i32
      scf.if %cond3A_50 {
        %swap3A_55 = arith.constant 0 : index
        %swap3A_56 = arith.constant 0 : index
        %swap3A_57 = vector.load %arg18[%swap3A_55, %swap3A_56] : memref<1x256xf32, #tpu.memory_space<vmem>>, vector<1x256xf32>
        tpu.vector_store %arg18[%swap3A_55, %swap3A_56], %broadcast_in_dim3A_41 {strides = array<i32>} : memref<1x256xf32, #tpu.memory_space<vmem>>, vector<1x256xf32>,
        %swap3A_58 = arith.constant 0 : index
        %swap3A_59 = arith.constant 0 : index
        %swap3A_60 = vector.load %arg19[%swap3A_58, %swap3A_59] : memref<1x256xf32, #tpu.memory_space<vmem>>, vector<1x256xf32>
        tpu.vector_store %arg19[%swap3A_58, %swap3A_59], %broadcast_in_dim3A_45 {strides = array<i32>} : memref<1x256xf32, #tpu.memory_space<vmem>>, vector<1x256xf32>,
      } else {
      }
      %ne3A = arith.constant 0 : i32
      %ne3A_51 = arith.cmpi ne, %arg1, %ne3A : i32
      %convert_element_type3A_52 = arith.extui %ne3A_51 : i1 to i32
      %cond3A_53 = arith.constant 0 : i32
      %cond3A_54 = arith.cmpi ne, %convert_element_type3A_52, %cond3A_53 : i32
      scf.if %cond3A_54 {
        %get3A_55 = arith.constant 0 : index
        %get3A_56 = arith.constant 0 : index
        %get3A_57 = vector.load %arg18[%get3A_55, %get3A_56] : memref<1x256xf32, #tpu.memory_space<vmem>>, vector<1x256xf32>
        %add3A_58 = arith.addf %get3A_57, %broadcast_in_dim3A_41 : vector<1x256xf32>
        %swap3A_59 = arith.constant 0 : index
        %swap3A_60 = arith.constant 0 : index
        %swap3A_61 = vector.load %arg18[%swap3A_59, %swap3A_60] : memref<1x256xf32, #tpu.memory_space<vmem>>, vector<1x256xf32>
        tpu.vector_store %arg18[%swap3A_59, %swap3A_60], %add3A_58 {strides = array<i32>} : memref<1x256xf32, #tpu.memory_space<vmem>>, vector<1x256xf32>,
        %get3A_62 = arith.constant 0 : index
        %get3A_63 = arith.constant 0 : index
        %get3A_64 = vector.load %arg19[%get3A_62, %get3A_63] : memref<1x256xf32, #tpu.memory_space<vmem>>, vector<1x256xf32>
        %add3A_65 = arith.addf %get3A_64, %broadcast_in_dim3A_45 : vector<1x256xf32>
        %swap3A_66 = arith.constant 0 : index
        %swap3A_67 = arith.constant 0 : index
        %swap3A_68 = vector.load %arg19[%swap3A_66, %swap3A_67] : memref<1x256xf32, #tpu.memory_space<vmem>>, vector<1x256xf32>
        tpu.vector_store %arg19[%swap3A_66, %swap3A_67], %add3A_65 {strides = array<i32>} : memref<1x256xf32, #tpu.memory_space<vmem>>, vector<1x256xf32>,
      } else {
      }
    } else {
    }
    %eq3A_2 = arith.constant 1 : i32
    %eq3A_3 = arith.cmpi eq, %arg0, %eq3A_2 : i32
    %convert_element_type3A_4 = arith.extui %eq3A_3 : i1 to i32
    %cond3A_5 = arith.constant 0 : i32
    %cond3A_6 = arith.cmpi ne, %convert_element_type3A_4, %cond3A_5 : i32
    scf.if %cond3A_6 {
      %eq3A_12 = arith.constant 0 : i32
      %eq3A_13 = arith.cmpi eq, %arg1, %eq3A_12 : i32
      %convert_element_type3A_14 = arith.extui %eq3A_13 : i1 to i32
      %cond3A_15 = arith.constant 0 : i32
      %cond3A_16 = arith.cmpi ne, %convert_element_type3A_14, %cond3A_15 : i32
      scf.if %cond3A_16 {
        %get3A_53 = arith.constant 0 : index
        %get3A_54 = arith.constant 0 : index
        %get3A_55 = vector.load %arg18[%get3A_53, %get3A_54] : memref<1x256xf32, #tpu.memory_space<vmem>>, vector<1x256xf32>
        %div3A = arith.constant 1.000000e+04 : f32
        %div3A_56 = vector.broadcast %div3A : f32 to vector<1x256xf32>
        %div3A_57 = arith.divf %get3A_55, %div3A_56 : vector<1x256xf32>
        %get3A_58 = arith.constant 0 : index
        %get3A_59 = arith.constant 0 : index
        %get3A_60 = vector.load %arg19[%get3A_58, %get3A_59] : memref<1x256xf32, #tpu.memory_space<vmem>>, vector<1x256xf32>
        %div3A_61 = arith.constant 1.000000e+04 : f32
        %div3A_62 = vector.broadcast %div3A_61 : f32 to vector<1x256xf32>
        %div3A_63 = arith.divf %get3A_60, %div3A_62 : vector<1x256xf32>
        %mul3A_64 = arith.mulf %div3A_57, %div3A_57 : vector<1x256xf32>
        %sub3A = arith.subf %div3A_63, %mul3A_64 : vector<1x256xf32>
        %get3A_65 = arith.constant 0 : index
        %get3A_66 = vector.load %arg11[%get3A_65] : memref<256xf32, #tpu.memory_space<vmem>>, vector<256xf32>
        %broadcast_in_dim3A_67 = vector.shape_cast %get3A_66 : vector<256xf32> to vector<1x256xf32>
        %add3A_68 = arith.constant 9.99999974E-6 : f32
        %add3A_69 = vector.broadcast %add3A_68 : f32 to vector<1x256xf32>
        %add3A_70 = arith.addf %sub3A, %add3A_69 : vector<1x256xf32>
        %sqrt3A = math.sqrt %add3A_70 : vector<1x256xf32>
        %div3A_71 = arith.divf %broadcast_in_dim3A_67, %sqrt3A : vector<1x256xf32>
        %swap3A_72 = arith.constant 0 : index
        %swap3A_73 = arith.constant 0 : index
        %swap3A_74 = vector.load %arg22[%swap3A_72, %swap3A_73] : memref<2x256xf32, #tpu.memory_space<vmem>>, vector<1x256xf32>
        tpu.vector_store %arg22[%swap3A_72, %swap3A_73], %div3A_71 {strides = array<i32>} : memref<2x256xf32, #tpu.memory_space<vmem>>, vector<1x256xf32>,
        %get3A_75 = arith.constant 0 : index
        %get3A_76 = vector.load %arg12[%get3A_75] : memref<256xf32, #tpu.memory_space<vmem>>, vector<256xf32>
        %broadcast_in_dim3A_77 = vector.shape_cast %get3A_76 : vector<256xf32> to vector<1x256xf32>
        %mul3A_78 = arith.mulf %div3A_57, %div3A_71 : vector<1x256xf32>
        %sub3A_79 = arith.subf %broadcast_in_dim3A_77, %mul3A_78 : vector<1x256xf32>
        %swap3A_80 = arith.constant 1 : index
        %swap3A_81 = arith.constant 0 : index
        %swap3A_82 = vector.load %arg22[%swap3A_80, %swap3A_81] : memref<2x256xf32, #tpu.memory_space<vmem>>, vector<1x256xf32>
        tpu.vector_store %arg22[%swap3A_80, %swap3A_81], %sub3A_79 {strides = array<i32>} : memref<2x256xf32, #tpu.memory_space<vmem>>, vector<1x256xf32>,
      } else {
      }
      %mul3A = arith.constant 1000 : i32
      %mul3A_17 = arith.muli %arg1, %mul3A : i32
      %get3A = arith.index_cast %mul3A_17 : i32 to index
      %get3A_18 = arith.constant 0 : index
      %get3A_19 = vector.load %arg16[%get3A, %get3A_18] : memref<10000x256xf32, #tpu.memory_space<vmem>>, vector<1000x256xf32>
      %get3A_20 = arith.constant 0 : index
      %get3A_21 = arith.constant 0 : index
      %get3A_22 = vector.load %arg22[%get3A_20, %get3A_21] : memref<2x256xf32, #tpu.memory_space<vmem>>, vector<1x256xf32>
      %mul3A_23 = vector.broadcast %get3A_22 : vector<1x256xf32> to vector<1000x256xf32>
      %mul3A_24 = arith.mulf %get3A_19, %mul3A_23 : vector<1000x256xf32>
      %get3A_25 = arith.constant 1 : index
      %get3A_26 = arith.constant 0 : index
      %get3A_27 = vector.load %arg22[%get3A_25, %get3A_26] : memref<2x256xf32, #tpu.memory_space<vmem>>, vector<1x256xf32>
      %add3A = vector.broadcast %get3A_27 : vector<1x256xf32> to vector<1000x256xf32>
      %add3A_28 = arith.addf %mul3A_24, %add3A : vector<1000x256xf32>
      %max3A = arith.constant 0.000000e+00 : f32
      %max3A_29 = vector.broadcast %max3A : f32 to vector<1000x256xf32>
      %max3A_30 = arith.maximumf %add3A_28, %max3A_29 : vector<1000x256xf32>
      %get3A_31 = arith.constant 0 : index
      %get3A_32 = arith.constant 0 : index
      %get3A_33 = vector.load %arg7[%get3A_31, %get3A_32] : memref<256x256xf32, #tpu.memory_space<vmem>>, vector<256x256xf32>
      %dot_general3A = arith.constant dense<0.000000e+00> : vector<1000x256xf32>
      %dot_general3A_34 = tpu.matmul %max3A_30, %get3A_33, %dot_general3A {dimension_numbers = #tpu.dot_dimension_numbers<[1], [0], [0], [1], [0, 0, 1, 1], [], []>, transpose_lhs_hint = false} : vector<1000x256xf32>, vector<256x256xf32>, vector<1000x256xf32> -> vector<1000x256xf32>
      %mul3A_35 = arith.constant 1000 : i32
      %mul3A_36 = arith.muli %arg1, %mul3A_35 : i32
      %swap3A = arith.index_cast %mul3A_36 : i32 to index
      %swap3A_37 = arith.constant 0 : index
      %swap3A_38 = vector.load %arg17[%swap3A, %swap3A_37] : memref<10000x256xf32, #tpu.memory_space<vmem>>, vector<1000x256xf32>
      tpu.vector_store %arg17[%swap3A, %swap3A_37], %dot_general3A_34 {strides = array<i32>} : memref<10000x256xf32, #tpu.memory_space<vmem>>, vector<1000x256xf32>,
      %reduce_sum3A = arith.constant dense<0.000000e+00> : vector<256xf32>
      %reduce_sum3A_39 = vector.multi_reduction <add>, %dot_general3A_34, %reduce_sum3A [0] : vector<1000x256xf32> to vector<256xf32>
      %broadcast_in_dim3A = vector.shape_cast %reduce_sum3A_39 : vector<256xf32> to vector<1x256xf32>
      %mul3A_40 = arith.mulf %dot_general3A_34, %dot_general3A_34 : vector<1000x256xf32>
      %reduce_sum3A_41 = arith.constant dense<0.000000e+00> : vector<256xf32>
      %reduce_sum3A_42 = vector.multi_reduction <add>, %mul3A_40, %reduce_sum3A_41 [0] : vector<1000x256xf32> to vector<256xf32>
      %broadcast_in_dim3A_43 = vector.shape_cast %reduce_sum3A_42 : vector<256xf32> to vector<1x256xf32>
      %eq3A_44 = arith.constant 0 : i32
      %eq3A_45 = arith.cmpi eq, %arg1, %eq3A_44 : i32
      %convert_element_type3A_46 = arith.extui %eq3A_45 : i1 to i32
      %cond3A_47 = arith.constant 0 : i32
      %cond3A_48 = arith.cmpi ne, %convert_element_type3A_46, %cond3A_47 : i32
      scf.if %cond3A_48 {
        %swap3A_53 = arith.constant 0 : index
        %swap3A_54 = arith.constant 0 : index
        %swap3A_55 = vector.load %arg20[%swap3A_53, %swap3A_54] : memref<1x256xf32, #tpu.memory_space<vmem>>, vector<1x256xf32>
        tpu.vector_store %arg20[%swap3A_53, %swap3A_54], %broadcast_in_dim3A {strides = array<i32>} : memref<1x256xf32, #tpu.memory_space<vmem>>, vector<1x256xf32>,
        %swap3A_56 = arith.constant 0 : index
        %swap3A_57 = arith.constant 0 : index
        %swap3A_58 = vector.load %arg21[%swap3A_56, %swap3A_57] : memref<1x256xf32, #tpu.memory_space<vmem>>, vector<1x256xf32>
        tpu.vector_store %arg21[%swap3A_56, %swap3A_57], %broadcast_in_dim3A_43 {strides = array<i32>} : memref<1x256xf32, #tpu.memory_space<vmem>>, vector<1x256xf32>,
      } else {
      }
      %ne3A = arith.constant 0 : i32
      %ne3A_49 = arith.cmpi ne, %arg1, %ne3A : i32
      %convert_element_type3A_50 = arith.extui %ne3A_49 : i1 to i32
      %cond3A_51 = arith.constant 0 : i32
      %cond3A_52 = arith.cmpi ne, %convert_element_type3A_50, %cond3A_51 : i32
      scf.if %cond3A_52 {
        %get3A_53 = arith.constant 0 : index
        %get3A_54 = arith.constant 0 : index
        %get3A_55 = vector.load %arg20[%get3A_53, %get3A_54] : memref<1x256xf32, #tpu.memory_space<vmem>>, vector<1x256xf32>
        %add3A_56 = arith.addf %get3A_55, %broadcast_in_dim3A : vector<1x256xf32>
        %swap3A_57 = arith.constant 0 : index
        %swap3A_58 = arith.constant 0 : index
        %swap3A_59 = vector.load %arg20[%swap3A_57, %swap3A_58] : memref<1x256xf32, #tpu.memory_space<vmem>>, vector<1x256xf32>
        tpu.vector_store %arg20[%swap3A_57, %swap3A_58], %add3A_56 {strides = array<i32>} : memref<1x256xf32, #tpu.memory_space<vmem>>, vector<1x256xf32>,
        %get3A_60 = arith.constant 0 : index
        %get3A_61 = arith.constant 0 : index
        %get3A_62 = vector.load %arg21[%get3A_60, %get3A_61] : memref<1x256xf32, #tpu.memory_space<vmem>>, vector<1x256xf32>
        %add3A_63 = arith.addf %get3A_62, %broadcast_in_dim3A_43 : vector<1x256xf32>
        %swap3A_64 = arith.constant 0 : index
        %swap3A_65 = arith.constant 0 : index
        %swap3A_66 = vector.load %arg21[%swap3A_64, %swap3A_65] : memref<1x256xf32, #tpu.memory_space<vmem>>, vector<1x256xf32>
        tpu.vector_store %arg21[%swap3A_64, %swap3A_65], %add3A_63 {strides = array<i32>} : memref<1x256xf32, #tpu.memory_space<vmem>>, vector<1x256xf32>,
      } else {
      }
    } else {
    }
    %eq3A_7 = arith.constant 2 : i32
    %eq3A_8 = arith.cmpi eq, %arg0, %eq3A_7 : i32
    %convert_element_type3A_9 = arith.extui %eq3A_8 : i1 to i32
    %cond3A_10 = arith.constant 0 : i32
    %cond3A_11 = arith.cmpi ne, %convert_element_type3A_9, %cond3A_10 : i32
    scf.if %cond3A_11 {
      %eq3A_12 = arith.constant 0 : i32
      %eq3A_13 = arith.cmpi eq, %arg1, %eq3A_12 : i32
      %convert_element_type3A_14 = arith.extui %eq3A_13 : i1 to i32
      %cond3A_15 = arith.constant 0 : i32
      %cond3A_16 = arith.cmpi ne, %convert_element_type3A_14, %cond3A_15 : i32
      scf.if %cond3A_16 {
        %get3A_41 = arith.constant 0 : index
        %get3A_42 = arith.constant 0 : index
        %get3A_43 = vector.load %arg20[%get3A_41, %get3A_42] : memref<1x256xf32, #tpu.memory_space<vmem>>, vector<1x256xf32>
        %div3A = arith.constant 1.000000e+04 : f32
        %div3A_44 = vector.broadcast %div3A : f32 to vector<1x256xf32>
        %div3A_45 = arith.divf %get3A_43, %div3A_44 : vector<1x256xf32>
        %get3A_46 = arith.constant 0 : index
        %get3A_47 = arith.constant 0 : index
        %get3A_48 = vector.load %arg21[%get3A_46, %get3A_47] : memref<1x256xf32, #tpu.memory_space<vmem>>, vector<1x256xf32>
        %div3A_49 = arith.constant 1.000000e+04 : f32
        %div3A_50 = vector.broadcast %div3A_49 : f32 to vector<1x256xf32>
        %div3A_51 = arith.divf %get3A_48, %div3A_50 : vector<1x256xf32>
        %mul3A_52 = arith.mulf %div3A_45, %div3A_45 : vector<1x256xf32>
        %sub3A = arith.subf %div3A_51, %mul3A_52 : vector<1x256xf32>
        %get3A_53 = arith.constant 0 : index
        %get3A_54 = vector.load %arg13[%get3A_53] : memref<256xf32, #tpu.memory_space<vmem>>, vector<256xf32>
        %broadcast_in_dim3A_55 = vector.shape_cast %get3A_54 : vector<256xf32> to vector<1x256xf32>
        %add3A_56 = arith.constant 9.99999974E-6 : f32
        %add3A_57 = vector.broadcast %add3A_56 : f32 to vector<1x256xf32>
        %add3A_58 = arith.addf %sub3A, %add3A_57 : vector<1x256xf32>
        %sqrt3A = math.sqrt %add3A_58 : vector<1x256xf32>
        %div3A_59 = arith.divf %broadcast_in_dim3A_55, %sqrt3A : vector<1x256xf32>
        %swap3A_60 = arith.constant 0 : index
        %swap3A_61 = arith.constant 0 : index
        %swap3A_62 = vector.load %arg23[%swap3A_60, %swap3A_61] : memref<2x256xf32, #tpu.memory_space<vmem>>, vector<1x256xf32>
        tpu.vector_store %arg23[%swap3A_60, %swap3A_61], %div3A_59 {strides = array<i32>} : memref<2x256xf32, #tpu.memory_space<vmem>>, vector<1x256xf32>,
        %get3A_63 = arith.constant 0 : index
        %get3A_64 = vector.load %arg14[%get3A_63] : memref<256xf32, #tpu.memory_space<vmem>>, vector<256xf32>
        %broadcast_in_dim3A_65 = vector.shape_cast %get3A_64 : vector<256xf32> to vector<1x256xf32>
        %mul3A_66 = arith.mulf %div3A_45, %div3A_59 : vector<1x256xf32>
        %sub3A_67 = arith.subf %broadcast_in_dim3A_65, %mul3A_66 : vector<1x256xf32>
        %swap3A_68 = arith.constant 1 : index
        %swap3A_69 = arith.constant 0 : index
        %swap3A_70 = vector.load %arg23[%swap3A_68, %swap3A_69] : memref<2x256xf32, #tpu.memory_space<vmem>>, vector<1x256xf32>
        tpu.vector_store %arg23[%swap3A_68, %swap3A_69], %sub3A_67 {strides = array<i32>} : memref<2x256xf32, #tpu.memory_space<vmem>>, vector<1x256xf32>,
      } else {
      }
      %mul3A = arith.constant 1000 : i32
      %mul3A_17 = arith.muli %arg1, %mul3A : i32
      %get3A = arith.index_cast %mul3A_17 : i32 to index
      %get3A_18 = arith.constant 0 : index
      %get3A_19 = vector.load %arg17[%get3A, %get3A_18] : memref<10000x256xf32, #tpu.memory_space<vmem>>, vector<1000x256xf32>
      %get3A_20 = arith.constant 0 : index
      %get3A_21 = arith.constant 0 : index
      %get3A_22 = vector.load %arg23[%get3A_20, %get3A_21] : memref<2x256xf32, #tpu.memory_space<vmem>>, vector<1x256xf32>
      %mul3A_23 = vector.broadcast %get3A_22 : vector<1x256xf32> to vector<1000x256xf32>
      %mul3A_24 = arith.mulf %get3A_19, %mul3A_23 : vector<1000x256xf32>
      %get3A_25 = arith.constant 1 : index
      %get3A_26 = arith.constant 0 : index
      %get3A_27 = vector.load %arg23[%get3A_25, %get3A_26] : memref<2x256xf32, #tpu.memory_space<vmem>>, vector<1x256xf32>
      %add3A = vector.broadcast %get3A_27 : vector<1x256xf32> to vector<1000x256xf32>
      %add3A_28 = arith.addf %mul3A_24, %add3A : vector<1000x256xf32>
      %max3A = arith.constant 0.000000e+00 : f32
      %max3A_29 = vector.broadcast %max3A : f32 to vector<1000x256xf32>
      %max3A_30 = arith.maximumf %add3A_28, %max3A_29 : vector<1000x256xf32>
      %get3A_31 = arith.constant 0 : index
      %get3A_32 = arith.constant 0 : index
      %get3A_33 = vector.load %arg8[%get3A_31, %get3A_32] : memref<256x128xf32, #tpu.memory_space<vmem>>, vector<256x128xf32>
      %dot_general3A = arith.constant dense<0.000000e+00> : vector<1000x128xf32>
      %dot_general3A_34 = tpu.matmul %max3A_30, %get3A_33, %dot_general3A {dimension_numbers = #tpu.dot_dimension_numbers<[1], [0], [0], [1], [0, 0, 1, 1], [], []>, transpose_lhs_hint = false} : vector<1000x256xf32>, vector<256x128xf32>, vector<1000x128xf32> -> vector<1000x128xf32>
      %get3A_35 = arith.constant 0 : index
      %get3A_36 = vector.load %arg9[%get3A_35] : memref<128xf32, #tpu.memory_space<vmem>>, vector<128xf32>
      %broadcast_in_dim3A = vector.shape_cast %get3A_36 : vector<128xf32> to vector<1x128xf32>
      %add3A_37 = vector.broadcast %broadcast_in_dim3A : vector<1x128xf32> to vector<1000x128xf32>
      %add3A_38 = arith.addf %dot_general3A_34, %add3A_37 : vector<1000x128xf32>
      %swap3A = arith.constant 0 : index
      %swap3A_39 = arith.constant 0 : index
      %swap3A_40 = vector.load %arg15[%swap3A, %swap3A_39] : memref<1000x128xf32, #tpu.memory_space<vmem>>, vector<1000x128xf32>
      tpu.vector_store %arg15[%swap3A, %swap3A_39], %add3A_38 {strides = array<i32>} : memref<1000x128xf32, #tpu.memory_space<vmem>>, vector<1000x128xf32>,
    } else {
    }
    return
  }
  func.func @transform_0(%arg0: i32, %arg1: i32) -> (i32, i32) {
    %eq3A = arith.constant 0 : i32
    %eq3A_0 = arith.cmpi eq, %arg0, %eq3A : i32
    %jit3A = arith.constant 0 : i32
    %select_n3A = arith.select %eq3A_0, %arg1, %jit3A : i32
    %c0_i32 = arith.constant 0 : i32
    %c0_i32_1 = arith.constant 0 : i32
    return %select_n3A, %c0_i32 : i32, i32
  }
  func.func @transform_1(%arg0: i32, %arg1: i32) -> (i32, i32) {
    %eq3A = arith.constant 0 : i32
    %eq3A_0 = arith.cmpi eq, %arg0, %eq3A : i32
    %jit3A = arith.constant 0 : i32
    %select_n3A = arith.select %eq3A_0, %arg1, %jit3A : i32
    %c0_i32 = arith.constant 0 : i32
    %c0_i32_1 = arith.constant 0 : i32
    return %select_n3A, %c0_i32 : i32, i32
  }
  func.func @transform_2(%arg0: i32, %arg1: i32) -> (i32, i32) {
    %c0_i32 = arith.constant 0 : i32
    %c0_i32_0 = arith.constant 0 : i32
    %c0_i32_1 = arith.constant 0 : i32
    return %c0_i32, %c0_i32_0 : i32, i32
  }
  func.func @transform_3(%arg0: i32, %arg1: i32) -> i32 {
    %c0_i32 = arith.constant 0 : i32
    %c0_i32_0 = arith.constant 0 : i32
    return %c0_i32 : i32
  }
  func.func @transform_4(%arg0: i32, %arg1: i32) -> (i32, i32) {
    %c0_i32 = arith.constant 0 : i32
    %c0_i32_0 = arith.constant 0 : i32
    %c0_i32_1 = arith.constant 0 : i32
    return %c0_i32, %c0_i32_0 : i32, i32
  }
  func.func @transform_5(%arg0: i32, %arg1: i32) -> (i32, i32) {
    %c0_i32 = arith.constant 0 : i32
    %c0_i32_0 = arith.constant 0 : i32
    %c0_i32_1 = arith.constant 0 : i32
    return %c0_i32, %c0_i32_0 : i32, i32
  }
  func.func @transform_6(%arg0: i32, %arg1: i32) -> (i32, i32) {
    %c0_i32 = arith.constant 0 : i32
    %c0_i32_0 = arith.constant 0 : i32
    %c0_i32_1 = arith.constant 0 : i32
    return %c0_i32, %c0_i32_0 : i32, i32
  }
  func.func @transform_7(%arg0: i32, %arg1: i32) -> i32 {
    %c0_i32 = arith.constant 0 : i32
    %c0_i32_0 = arith.constant 0 : i32
    return %c0_i32 : i32
  }
  func.func @transform_8(%arg0: i32, %arg1: i32) -> (i32, i32) {
    %c0_i32 = arith.constant 0 : i32
    %c0_i32_0 = arith.constant 0 : i32
    %c0_i32_1 = arith.constant 0 : i32
    return %c0_i32, %c0_i32_0 : i32, i32
  }
  func.func @transform_9(%arg0: i32, %arg1: i32) -> i32 {
    %c0_i32 = arith.constant 0 : i32
    %c0_i32_0 = arith.constant 0 : i32
    return %c0_i32 : i32
  }
  func.func @transform_10(%arg0: i32, %arg1: i32) -> i32 {
    %c0_i32 = arith.constant 0 : i32
    %c0_i32_0 = arith.constant 0 : i32
    return %c0_i32 : i32
  }
  func.func @transform_11(%arg0: i32, %arg1: i32) -> i32 {
    %c0_i32 = arith.constant 0 : i32
    %c0_i32_0 = arith.constant 0 : i32
    return %c0_i32 : i32
  }
  func.func @transform_12(%arg0: i32, %arg1: i32) -> i32 {
    %c0_i32 = arith.constant 0 : i32
    %c0_i32_0 = arith.constant 0 : i32
    return %c0_i32 : i32
  }
  func.func @transform_13(%arg0: i32, %arg1: i32) -> (i32, i32) {
    %eq3A = arith.constant 2 : i32
    %eq3A_0 = arith.cmpi eq, %arg0, %eq3A : i32
    %jit3A = arith.constant 0 : i32
    %select_n3A = arith.select %eq3A_0, %arg1, %jit3A : i32
    %c0_i32 = arith.constant 0 : i32
    %c0_i32_1 = arith.constant 0 : i32
    return %select_n3A, %c0_i32 : i32, i32
  }
}

</mosaic_0001>

<sc_bundles>
// kernel: kernel.4.cloned.1.call-start
scs
__scs_entry_jumppad:
0x0: {  	(pc) =	sbr.rel $0x88, $3  }
0x1: {  	(tag) =	ssettag $0x0;
	lr =	simm.s32 $0x1  }
0x2: {  	[smem:$0x3F94] =	sst lr;
	_ =	strace $0xD0000000  }
0x3: {  	_ = 	snop  }
0x4: {  	_ = 	snop  }
0x5: {  	_ = 	snop  }
0x6: {  	_ = 	snop  }
0x7: {  	_ = 	snop  }
__scs_overlays_trampoline_lowered:
0x8: {  	[smem:$0x3FA3] =	sst s0  }
0x9: {  	[smem:$0x3FA4] =	sst s1  }
0xa: {  	[smem:$0x3FA5] =	sst s2  }
0xb: {  	[smem:$0x3FA6] =	sst s3  }
0xc: {  	[smem:$0x3FA7] =	sst s4  }
0xd: {  	[smem:$0x3FA8] =	sst s5  }
0xe: {  	[smem:$0x3FA9] =	sst s6  }
0xf: {  	[smem:$0x3FAA] =	sst s7  }
0x10: {  	[smem:$0x3FAB] =	sst s8  }
0x11: {  	[smem:$0x3FAC] =	sst s9;
	s0 =	simm.s32 @!p0 $0x0  }
0x12: {  	s1 =	sld [smem:$0x3F92];
	s0 =	simm.s32 @p0 $0x1  }
0x13: {  	[smem:$0x3FAD] =	sst s0;
	s0 =	simm.s32 @!p1 $0x0  }
0x14: {  	s2 =	sld [smem:$0x3F91];
	s0 =	simm.s32 @p1 $0x1  }
0x15: {  	[smem:$0x3FAE] =	sst s0;
	s0 =	simm.s32 @!p2 $0x0  }
0x16: {  	s3 =	sld [smem:$0x3FDB];
	s0 =	simm.s32 @p2 $0x1  }
0x17: {  	s4 =	simm.s32 $0x1BF5;
	[smem:$0x3FB0] =	sst s0  }
0x18: {  	s0 =	sld [smem:$0x3F93];
	_ =	swait.ge [sflag:s4], $0x0  }
0x19: {  	s7 =	sld [smem:$0x3F94]  }
0x1a: {  	s8 =	sadd.s32 $0xFFFFE003, lr  }
0x1b: {  	s9 =	sadd.s32 $0xFFFFFEF7, lr;
	s5 =	simm.s32 $0xFFFFFFFF;
	p2 =	slt.u32 s8, $0xFFFFF086  }
0x1c: {  	p1 =	slt.u32 s9, $0xF7A;
	s5 =	simm.s32 @!p2 $0x0  }
0x1d: {  	s5 =	simm.s32 @p1 $0x1;
	p0 =	seq.s32 s7, s2  }
0x1e: {  	s7 =	smul.u32 @!p0 $0xF7A, s2;
	p2 =	seq.s32 @!p0 s5, $0x0  }
0x1f: {  	s9 =	smul.u32 $0xF7A, s1;
	s8 =	simm.s32 @!p0 $0x1BF5;
	p2 =	por !p2, p0  }
0x20: {  	[sflag:s8] =	ssyncset.s32 @!p0 $0xFFFFF086;
	s6 =	sadd.s32 @!p0 s3, s7;
	s7 =	simm.s32 @!p0 $0x108  }
0x21: {  	s3 =	sadd.s32 s3, s9;
	s6 =	sadd.s32 @!p0 $0x88, s6;
	s7 =	simm.s32 @p2 $0x1082  }
0x22: {  	[simem:s7], [sflag:s8] =	dma.local @!p0 [hbm:s6], $0xF7A  }
0x23: {  	s9 =	sor.u32 $0xD0000000, s2;
	s6 =	simm.s32 $0x108;
	_ =	swait.ge @!p0 [sflag:s8], $0x0  }
0x24: {  	s3 =	sadd.s32 $0x88, s3;
	s6 =	simm.s32 @!p1 $0x1082;
	[sflag:s4] =	ssyncset.s32 $0xFFFFF086  }
0x25: {  	[simem:s6], [sflag:s4] =	dma.local [hbm:s3], $0xF7A  }
0x26: {  	[smem:$0x3F94] =	sst s1;
	(tag) =	ssettag s2;
	_ =	strace s9  }
0x27: {  	s1 =	sld [smem:$0x3FA4]  }
0x28: {  	s2 =	sld [smem:$0x3FA5]  }
0x29: {  	s4 =	sld [smem:$0x3FA7]  }
0x2a: {  	p0 =	seq.s32 s5, $0x0;
	s5 =	sld [smem:$0x3FA8]  }
0x2b: {  	s6 =	sld [smem:$0x3FA9]  }
0x2c: {  	s7 =	sld [smem:$0x3FAA]  }
0x2d: {  	s3 =	simm.s32 $0x108;
	s8 =	sld [smem:$0x3FAB]  }
0x2e: {  	s3 =	simm.s32 @!p0 $0x1082;
	s9 =	sld [smem:$0x3FAC]  }
0x2f: {  	lr =	sadd.s32 s0, s3;
	s0 =	sld [smem:$0x3FA3]  }
0x30: {  	s3 =	sld [smem:$0x3FA6]  }
0x31: {  	[smem:$0x3FAF] =	sst s10  }
0x32: {  	s10 =	sld [smem:$0x3FAD];
	_ =	sdelay $0x3  }
0x33: {  	p0 =	seq.s32 s10, $0x1;
	s10 =	sld [smem:$0x3FAF];
	_ =	sdelay $0x3  }
0x34: {  	[smem:$0x3FAF] =	sst s10  }
0x35: {  	s10 =	sld [smem:$0x3FAE];
	_ =	sdelay $0x3  }
0x36: {  	p1 =	seq.s32 s10, $0x1;
	s10 =	sld [smem:$0x3FAF];
	_ =	sdelay $0x3  }
0x37: {  	[smem:$0x3FAF] =	sst s10  }
0x38: {  	s10 =	sld [smem:$0x3FB0]  }
0x39: {  	_ = 	snop;
	(pc) =	sbr.ind lr, $3  }
0x3a: {  	_ = 	snop  }
0x3b: {  	_ = 	snop  }
0x3c: {  	p2 =	seq.s32 s10, $0x1;
	s10 =	sld [smem:$0x3FAF]  }
0x3d: {  	_ =	shalt  }
0x3e: {  	_ =	shalt  }
0x3f: {  	_ =	shalt  }
0x40: {  	_ =	shalt  }
0x41: {  	_ =	shalt  }
0x42: {  	_ =	shalt  }
0x43: {  	_ =	shalt  }
0x44: {  	_ =	shalt  }
0x45: {  	_ =	shalt  }
0x46: {  	_ =	shalt  }
0x47: {  	_ =	shalt  }
0x48: {  	_ =	shalt  }
0x49: {  	_ =	shalt  }
0x4a: {  	_ =	shalt  }
0x4b: {  	_ =	shalt  }
0x4c: {  	_ =	shalt  }
0x4d: {  	_ =	shalt  }
0x4e: {  	_ =	shalt  }
0x4f: {  	_ =	shalt  }
0x50: {  	_ =	shalt  }
0x51: {  	_ =	shalt  }
0x52: {  	_ =	shalt  }
0x53: {  	_ =	shalt  }
0x54: {  	_ =	shalt  }
0x55: {  	_ =	shalt  }
0x56: {  	_ =	shalt  }
0x57: {  	_ =	shalt  }
0x58: {  	_ =	shalt  }
0x59: {  	_ =	shalt  }
0x5a: {  	_ =	shalt  }
0x5b: {  	_ =	shalt  }
0x5c: {  	_ =	shalt  }
0x5d: {  	_ =	shalt  }
0x5e: {  	_ =	shalt  }
0x5f: {  	_ =	shalt  }
0x60: {  	_ =	shalt  }
0x61: {  	_ =	shalt  }
0x62: {  	_ =	shalt  }
0x63: {  	_ =	shalt  }
0x64: {  	_ =	shalt  }
0x65: {  	_ =	shalt  }
0x66: {  	_ =	shalt  }
0x67: {  	_ =	shalt  }
0x68: {  	_ =	shalt  }
0x69: {  	_ =	shalt  }
0x6a: {  	_ =	shalt  }
0x6b: {  	_ =	shalt  }
0x6c: {  	_ =	shalt  }
0x6d: {  	_ =	shalt  }
0x6e: {  	_ =	shalt  }
0x6f: {  	_ =	shalt  }
0x70: {  	_ =	shalt  }
0x71: {  	_ =	shalt  }
0x72: {  	_ =	shalt  }
0x73: {  	_ =	shalt  }
0x74: {  	_ =	shalt  }
0x75: {  	_ =	shalt  }
0x76: {  	_ =	shalt  }
0x77: {  	_ =	shalt  }
0x78: {  	_ =	shalt  }
0x79: {  	_ =	shalt  }
0x7a: {  	_ =	shalt  }
0x7b: {  	_ =	shalt  }
0x7c: {  	_ =	shalt  }
0x7d: {  	_ =	shalt  }
0x7e: {  	_ =	shalt  }
0x7f: {  	_ =	shalt  }
0x80: {  	_ =	shalt  }
0x81: {  	_ =	shalt  }
0x82: {  	_ =	shalt  }
0x83: {  	_ =	shalt  }
0x84: {  	_ =	shalt  }
0x85: {  	_ =	shalt  }
0x86: {  	_ =	shalt  }
0x87: {  	_ =	shalt  }
.Lfunc_end0:
.L_simem_size_0:
called_computation_lowered:
.L_overlay_start_0:
0x88: {  	s2 =	sld [smem:$0x3FD9]  }
0x89: {  	s3 =	sld [smem:$0x3FFE];
	_ =	sdelay $0x1  }
0x8a: {  	s1 =	srdreg.scid  }
0x8b: {  	s0 =	sand.u32 $0x1, s1  }
0x8c: {  	s17 =	sshll.u32 s0, $0xA;
	s2 =	sadd.s32 s3, s2  }
0x8d: {  	s2 =	sadd.s32 s2, s17  }
0x8e: {  	[smem:$0x3FBB] =	sst s2  }
0x8f: {  	_ = 	snop  }
0x90: {  	s2 =	sld [smem:$0x3FC9]  }
0x91: {  	s18 =	sld [smem:$0x3FD0];
	(tm) =	ssettm $0x1  }
0x92: {  	s4 =	sld [smem:$0x3FFB];
	_ =	sdelay $0x3  }
0x93: {  	_ =	strace s4  }
0x94: {  	s4 =	sld [smem:$0x3FFC];
	_ =	sdelay $0x3  }
0x95: {  	_ =	strace s4  }
0x96: {  	s4 =	sld [smem:$0x3FFD];
	_ =	sdelay $0x3  }
0x97: {  	_ =	strace s4  }
0x98: {  	_ =	strace $0x8FFFFFFF  }
0x99: {  	s19 =	sld [smem:$0x3FDB];
	_ =	sdelay $0x1  }
0x9a: {  	s5 =	simm.s32 $_scs_section_size  }
0x9b: {  	s6 =	simm.s32 $_size__tile_overlayer_lowered;
	s7 =	simm.s32 $_tile_overlayer_lowered  }
0x9c: {  	s22 =	simm.s32 $0x1BFF;
	s21 =	sshll.u32 s7, $0x1;
	s4 =	sadd.s32 s5, s19  }
0x9d: {  	s8 =	simm.s32 $0x0;
	s20 =	sshll.u32 s6, $0x1;
	s6 =	sadd.s32 s21, s4  }
0x9e: {  	[timem:s8], [sflag:s22] =	dma.local [hbm:s6], s20  }
0x9f: {  	_ =	swait.ge [sflag:s22], s20  }
0xa0: {  	s5 =	ssub.s32 $0x0, s20;
	[sflag:s22] =	ssyncset.done $0x0  }
0xa1: {  	[sflag:s22] =	ssyncadd.s32 s5;
	_ =	sdelay $0x1  }
0xa2: {  	s23 =	simm.s32 $0x1B8B  }
0xa3: {  	_ =	swait.ge [sflag:s23], $0x1  }
0xa4: {  	[sflag:s23] =	ssyncset.done $0x0  }
0xa5: {  	s25 =	simm.s32 $0x1B8E;
	s24 =	sld [smem:$0x3FFE];
	[sflag:s23] =	ssyncadd.s32 $0xFFFFFFFF  }
0xa6: {  	s26 =	simm.s32 $execute0_lowered;
	[smem:$0x3FD2] =	sst s25  }
0xa7: {  	s6 =	sshll.u32 s26, $0x1;
	_ =	strace $0x80000046;
	[dreg:$0x1] =	wrdreg $0xFFFFFFFF  }
0xa8: {  	s28 =	simm.s32 $_size_execute0_lowered;
	s4 =	sadd.s32 s4, s6;
	[dreg:$0x0] =	wrdreg $0x0  }
0xa9: {  	s6 =	sshll.u32 s28, $0x1;
	[dreg:$0x2] =	wrdreg s4  }
0xaa: {  	[dreg:$0x3] =	wrdreg s6  }
0xab: {  	[dreg:$0x4] =	wrdreg $0xC0  }
0xac: {  	_ =	task [dreg:s8], $0x5FFFF  }
0xad: {  	[dreg:$0x1] =	wrdreg $0xFFFFFFFF  }
0xae: {  	[dreg:$0x0] =	wrdreg $0x60  }
0xaf: {  	[dreg:$0x2] =	wrdreg s2  }
0xb0: {  	[dreg:$0x3] =	wrdreg s18  }
0xb1: {  	[dreg:$0x4] =	wrdreg s24  }
0xb2: {  	[dreg:$0x5] =	wrdreg $0x13D000  }
0xb3: {  	[dreg:$0x6] =	wrdreg $0x9  }
0xb4: {  	_ =	task.clear_ibuf [dreg:s8], $0x7FFFF;
	_ =	strace $0x90000046  }
0xb5: {  	s29 =	simm.s32 $0x9;
	_ =	strace $0x80000048  }
0xb6: {  	_ =	swait.ge [sflag:s29], $0x1  }
0xb7: {  	[sflag:s29] =	ssyncadd.s32 $0xFFFFFFFF  }
0xb8: {  	_ =	strace $0x90000048  }
0xb9: {  	_ =	sfence  }
0xba: {  	s30 =	sld [smem:$0x0];
	_ =	sdelay $0x2  }
0xbb: {  	s31 =	sshll.u32 s1, $0xD;
	s1 =	sshrl.u32 s1, $0x2  }
0xbc: {  	s3 =	sand.u32 $0x4000, s31;
	s1 =	sadd.s32 s1, s30  }
0xbd: {  	s0 =	sor.u32 s3, s0;
	s1 =	sshll.u32 s1, $0x11  }
0xbe: {  	s0 =	sor.u32 s1, s0  }
0xbf: {  	s0 =	sadd.s32 $0x8F2B, s0  }
0xc0: {  	[sflag:s0] =	ssyncadd.remote.s32 $0x1  }
0xc1: {  	_ =	sfence.sel $0xFFFF  }
0xc2: {  	[dreg:$0x0] =	wrdreg $0xFFFFFFFF;
	(pc) =	sbr.abs _section_cstart, $3  }
0xc3: {  	[dreg:$0x1] =	wrdreg $0xFFFFFFFF  }
0xc4: {  	_ =	task.clear_ibuf [dreg:s8], $0x2FFFF;
	_ =	strace $0x9FFFFFFF  }
0xc5: {  	(tm) =	ssettm $0x7FFFFFFF  }
tec
execute0_lowered:
.L_overlay_start_1:
0x0: {  	(tag) =	ssettag $0x1  }
0x1: {  	s1 =	rddreg [dreg:$0x0]  }
0x2: {  	s0 =	rddreg [dreg:$0x1]  }
0x3: {  	s2 =	rddreg [dreg:$0x2]  }
0x4: {  	s3 =	rddreg [dreg:$0x3];
	s10 =	stileid.u32;
	s4 =	simm.s32 $0x0  }
0x5: {  	s5 =	srdreg.scid;
	s14 =	simm.s32 $0x11D00;
	s15 =	simm.s32 $0x9  }
0x6: {  	s17 =	simm.s32 $0x7D;
	s18 =	simm.s32 $0xA000;
	s20 =	simm.s32 $0xBF40  }
0x7: {  	s28 =	simm.s32 $0x3;
	s29 =	simm.s32 $0x4;
	s30 =	simm.s32 $0x5  }
0x8: {  	s31 =	simm.s32 $0x6;
	s16 =	simm.s32 $0x10;
	s6 =	smul.u32 $0x5000, s10  }
0x9: {  	[smem:$0x7FF] =	sst s4;
	s5 =	sand.u32 $0x1, s5;
	s7 =	smul.u32 $0x14000, s10  }
0xa: {  	s21 =	smul.u32 $0x28000, s10;
	_ =	strace $0x80000047;
	s9 =	sshll.u32 s5, $0x6  }
0xb: {  	s22 =	ssub.s32 $0x2, s5;
	s23 =	smul.u32 $0x50000, s5;
	s8 =	sshrl.u32 s6, $0x3  }
0xc: {  	s7 =	sor.u32 s9, s7;
	s24 =	sshrl.u32 s22, $0x1;
	s25 =	sshrl.u32 s21, $0x2  }
0xd: {  	s11 =	sadd.s32 s8, s2;
	s7 =	sshrl.u32 s7, $0x3;
	s13 =	ssub.s32 s22, s24  }
0xe: {  	s5 =	sadd.s32 s25, s3;
	s26 =	sadd.s32 s6, s23;
	s22 =	simm.s32 $0xDE80  }
0xf: {  	s24 =	simm.s32 $0xFDC0;
	s25 =	simm.s32 $0x1;
	s2 =	sadd.s32 s7, s2  }
0x10: {  	s6 =	sadd.s32 $0x2000, s5;
	s7 =	sadd.s32 $0x4000, s5;
	s10 =	sshrl.u32 s26, $0x3  }
0x11: {  	s8 =	sadd.s32 $0x6000, s5;
	s9 =	sadd.s32 $0x8000, s5;
	s11 =	sadd.s32 $0x1400, s11  }
0x12: {  	s13 =	smax.u32 s13, $0x1;
	s26 =	simm.s32 $0x2;
	s10 =	sadd.s32 s0, s10  }
0x13: {  	v0 =	vimm.f32 $0.0e+00;
	s12 =	sadd.s32 $0xB400, s2;
	s0 =	simm.s32 $0x7;
	s2 =	simm.s32 $0x8  }
.LBB2_1:
0x14: {  	s21 =	simm.s32 $0x100;
	s19 =	simm.s32 $0x0  }
.LBB2_2:
0x15: {  	p0 =	sne.s32 s21, $0x7F00;
	[tilespmem:s19+$0x11D30] =	vst v0;
	s23 =	smov.u32 s21;
	s21 =	sadd.s32 $0x100, s21  }
.Ltmp0:
0x16: {  	[tilespmem:s19+$0x11D20] =	vst v0;
	(pc) =	sbr.rel @p0 .LBB2_2-.Ltmp0, $3  }
0x17: {  	[tilespmem:s19+$0x11D00] =	vst v0  }
0x18: {  	[tilespmem:s19+$0x11D10] =	vst v0;
	_ =	sdelay $0x1  }
0x19: {  	s19 =	sshra.s32 s23, $0x2  }
0x1a: {  	[tilespmem:s19+$0x11D30] =	vst v0  }
0x1b: {  	[tilespmem:s19+$0x11D20] =	vst v0  }
0x1c: {  	[tilespmem:s19+$0x11D00] =	vst v0  }
0x1d: {  	[tilespmem:s19+$0x11D10] =	vst v0  }
0x1e: {  	[spmem:s5] =	stream.linear.scatter [tilespmem:s14], [sflag:$0x9], $0x2000, $0x38;
	[tilespmem:$0x1DD00] =	vst v63  }
0x1f: {  	_ =	swait.ge [sflag:s15], $0x2000  }
0x20: {  	[sflag:s15] =	ssyncset.done $0x0  }
0x21: {  	[sflag:s15] =	ssyncadd.s32 $0xFFFFE000  }
0x22: {  	[spmem:s6] =	stream.linear.scatter [tilespmem:s14], [sflag:$0x9], $0x2000, $0x38;
	[tilespmem:$0x1DD00] =	vst v63  }
0x23: {  	_ =	swait.ge [sflag:s15], $0x2000  }
0x24: {  	[sflag:s15] =	ssyncset.done $0x0  }
0x25: {  	[sflag:s15] =	ssyncadd.s32 $0xFFFFE000  }
0x26: {  	[spmem:s7] =	stream.linear.scatter [tilespmem:s14], [sflag:$0x9], $0x2000, $0x38;
	[tilespmem:$0x1DD00] =	vst v63  }
0x27: {  	_ =	swait.ge [sflag:s15], $0x2000  }
0x28: {  	[sflag:s15] =	ssyncset.done $0x0  }
0x29: {  	[sflag:s15] =	ssyncadd.s32 $0xFFFFE000  }
0x2a: {  	[spmem:s8] =	stream.linear.scatter [tilespmem:s14], [sflag:$0x9], $0x2000, $0x38;
	[tilespmem:$0x1DD00] =	vst v63  }
0x2b: {  	_ =	swait.ge [sflag:s15], $0x2000  }
0x2c: {  	[sflag:s15] =	ssyncset.done $0x0  }
0x2d: {  	[sflag:s15] =	ssyncadd.s32 $0xFFFFE000  }
0x2e: {  	[spmem:s9] =	stream.linear.scatter [tilespmem:s14], [sflag:$0x9], $0x2000, $0x38;
	[tilespmem:$0x1DD00] =	vst v63  }
0x2f: {  	_ =	swait.ge [sflag:s15], $0x2000  }
0x30: {  	[sflag:s15] =	ssyncset.done $0x0  }
0x31: {  	s23 =	simm.s32 $0x0;
	[sflag:s15] =	ssyncadd.s32 $0xFFFFE000  }
0x32: {  	[tilespmem:s23], [sflag:$0x9] =	stream.linear.gather [hbm4b:s10+s23], $0x5000, $0x38;
	[tilespmem:$0x1DD00] =	vst v63  }
0x33: {  	_ =	swait.ge [sflag:s15], $0x5000  }
0x34: {  	[sflag:s15] =	ssyncset.done $0x0  }
0x35: {  	s21 =	simm.s32 $0x5000;
	[sflag:s15] =	ssyncadd.s32 $0xFFFFB000  }
0x36: {  	[tilespmem:s21], [sflag:$0x9] =	stream.linear.gather [hbm4b:s11+s23], $0x5000, $0x38;
	[tilespmem:$0x1DD00] =	vst v63  }
0x37: {  	_ =	swait.ge [sflag:s15], $0x5000  }
0x38: {  	[sflag:s15] =	ssyncset.done $0x0  }
0x39: {  	[sflag:s15] =	ssyncadd.s32 $0xFFFFB000  }
0x3a: {  	[tilespmem:s18], [sflag:$0x1] =	stream.indirect.gather [hbm4b:s1+s17], $0x40, s23, s17, $0xb8;
	[tilespmem:$0x1DD00] =	vst v63  }
0x3b: {  	s21 =	simm.s32 $0x80  }
0x3c: {  	[tilespmem:s20], [sflag:$0x2] =	stream.indirect.gather [hbm4b:s1+s17], $0x40, s21, s17, $0xb8;
	[tilespmem:$0x1DD00] =	vst v63  }
0x3d: {  	s23 =	simm.s32 $0x100  }
0x3e: {  	[tilespmem:s22], [sflag:$0x3] =	stream.indirect.gather [hbm4b:s1+s17], $0x40, s23, s17, $0xb8;
	[tilespmem:$0x1DD00] =	vst v63  }
0x3f: {  	s21 =	simm.s32 $0x180  }
0x40: {  	[tilespmem:s24], [sflag:$0x4] =	stream.indirect.gather [hbm4b:s1+s17], $0x40, s21, s17, $0xb8;
	[tilespmem:$0x1DD00] =	vst v63  }
0x41: {  	[bflag:$0x0] =	sbarrier.arrive $0xFFFF  }
0x42: {  	_ =	swait.ge [sflag:s25], $0x1F40  }
0x43: {  	[sflag:s25] =	ssyncset.done $0x0  }
0x44: {  	s23 =	simm.s32 $0x5000;
	[sflag:s25] =	ssyncadd.s32 $0xFFFFE0C0  }
0x45: {  	[spmem:s3] =	stream.indirect.scatter.add.f32 [tilespmem:s18], [sflag:$0x5], $0x40, s23, s17, $0xb8;
	[tilespmem:$0x1DD00] =	vst v63  }
0x46: {  	_ =	swait.ge [sflag:s26], $0x1F40  }
0x47: {  	[sflag:s26] =	ssyncset.done $0x0  }
0x48: {  	s21 =	simm.s32 $0x5080;
	[sflag:s26] =	ssyncadd.s32 $0xFFFFE0C0  }
0x49: {  	[spmem:s3] =	stream.indirect.scatter.add.f32 [tilespmem:s20], [sflag:$0x6], $0x40, s21, s17, $0xb8;
	[tilespmem:$0x1DD00] =	vst v63  }
0x4a: {  	_ =	swait.ge [sflag:s28], $0x1F40  }
0x4b: {  	[sflag:s28] =	ssyncset.done $0x0  }
0x4c: {  	s23 =	simm.s32 $0x5100;
	[sflag:s28] =	ssyncadd.s32 $0xFFFFE0C0  }
0x4d: {  	[spmem:s3] =	stream.indirect.scatter.add.f32 [tilespmem:s22], [sflag:$0x7], $0x40, s23, s17, $0xb8;
	[tilespmem:$0x1DD00] =	vst v63  }
0x4e: {  	_ =	swait.ge [sflag:s29], $0x1F40  }
0x4f: {  	[sflag:s29] =	ssyncset.done $0x0  }
0x50: {  	s21 =	simm.s32 $0x5180;
	[sflag:s29] =	ssyncadd.s32 $0xFFFFE0C0  }
0x51: {  	[spmem:s3] =	stream.indirect.scatter.add.f32 [tilespmem:s24], [sflag:$0x8], $0x40, s21, s17, $0xb8;
	[tilespmem:$0x1DD00] =	vst v63  }
0x52: {  	_ =	swait.ge [sflag:s30], $0x1F40  }
0x53: {  	[sflag:s30] =	ssyncset.done $0x0  }
0x54: {  	s23 =	simm.s32 $0x200;
	[sflag:s30] =	ssyncadd.s32 $0xFFFFE0C0  }
0x55: {  	[tilespmem:s18], [sflag:$0x1] =	stream.indirect.gather [hbm4b:s1+s17], $0x40, s23, s17, $0xb8;
	[tilespmem:$0x1DD00] =	vst v63  }
0x56: {  	_ =	swait.ge [sflag:s31], $0x1F40  }
0x57: {  	[sflag:s31] =	ssyncset.done $0x0  }
0x58: {  	s21 =	simm.s32 $0x280;
	[sflag:s31] =	ssyncadd.s32 $0xFFFFE0C0  }
0x59: {  	[tilespmem:s20], [sflag:$0x2] =	stream.indirect.gather [hbm4b:s1+s17], $0x40, s21, s17, $0xb8;
	[tilespmem:$0x1DD00] =	vst v63  }
0x5a: {  	_ =	swait.ge [sflag:s0], $0x1F40  }
0x5b: {  	[sflag:s0] =	ssyncset.done $0x0  }
0x5c: {  	s23 =	simm.s32 $0x300;
	[sflag:s0] =	ssyncadd.s32 $0xFFFFE0C0  }
0x5d: {  	[tilespmem:s22], [sflag:$0x3] =	stream.indirect.gather [hbm4b:s1+s17], $0x40, s23, s17, $0xb8;
	[tilespmem:$0x1DD00] =	vst v63  }
0x5e: {  	_ =	swait.ge [sflag:s2], $0x1F40  }
0x5f: {  	[sflag:s2] =	ssyncset.done $0x0  }
0x60: {  	s19 =	simm.s32 $0x800;
	s21 =	simm.s32 $0x380;
	[sflag:s2] =	ssyncadd.s32 $0xFFFFE0C0  }
.LBB2_4:
0x61: {  	[tilespmem:s24], [sflag:$0x4] =	stream.indirect.gather [hbm4b:s1+s17], $0x40, s21, s17, $0xb8;
	[tilespmem:$0x1DD00] =	vst v63  }
0x62: {  	s21 =	smov.u32 s19  }
0x63: {  	p0 =	sne.s32 s19, $0x13000;
	s19 =	sadd.s32 $0x800, s19;
	_ =	swait.ge [sflag:s25], $0x1F40  }
0x64: {  	s21 =	sshra.s32 s21, $0x2;
	[sflag:s25] =	ssyncset.done $0x0  }
0x65: {  	s23 =	sadd.s32 $0x5000, s21;
	[sflag:s25] =	ssyncadd.s32 $0xFFFFE0C0  }
0x66: {  	[spmem:s3] =	stream.indirect.scatter.add.f32 [tilespmem:s18], [sflag:$0x5], $0x40, s23, s17, $0xb8;
	[tilespmem:$0x1DD00] =	vst v63  }
0x67: {  	_ =	swait.ge [sflag:s26], $0x1F40  }
0x68: {  	[sflag:s26] =	ssyncset.done $0x0  }
0x69: {  	s23 =	sadd.s32 $0x5080, s21;
	[sflag:s26] =	ssyncadd.s32 $0xFFFFE0C0  }
0x6a: {  	[spmem:s3] =	stream.indirect.scatter.add.f32 [tilespmem:s20], [sflag:$0x6], $0x40, s23, s17, $0xb8;
	[tilespmem:$0x1DD00] =	vst v63  }
0x6b: {  	_ =	swait.ge [sflag:s28], $0x1F40  }
0x6c: {  	[sflag:s28] =	ssyncset.done $0x0  }
0x6d: {  	s23 =	sadd.s32 $0x5100, s21;
	[sflag:s28] =	ssyncadd.s32 $0xFFFFE0C0  }
0x6e: {  	[spmem:s3] =	stream.indirect.scatter.add.f32 [tilespmem:s22], [sflag:$0x7], $0x40, s23, s17, $0xb8;
	[tilespmem:$0x1DD00] =	vst v63  }
0x6f: {  	_ =	swait.ge [sflag:s29], $0x1F40  }
0x70: {  	[sflag:s29] =	ssyncset.done $0x0  }
0x71: {  	s23 =	sadd.s32 $0x5180, s21;
	[sflag:s29] =	ssyncadd.s32 $0xFFFFE0C0  }
0x72: {  	[spmem:s3] =	stream.indirect.scatter.add.f32 [tilespmem:s24], [sflag:$0x8], $0x40, s23, s17, $0xb8;
	[tilespmem:$0x1DD00] =	vst v63  }
0x73: {  	_ =	swait.ge [sflag:s30], $0x1F40  }
0x74: {  	[sflag:s30] =	ssyncset.done $0x0  }
0x75: {  	s23 =	sadd.s32 $0x200, s21;
	[sflag:s30] =	ssyncadd.s32 $0xFFFFE0C0  }
0x76: {  	[tilespmem:s18], [sflag:$0x1] =	stream.indirect.gather [hbm4b:s1+s17], $0x40, s23, s17, $0xb8;
	[tilespmem:$0x1DD00] =	vst v63  }
0x77: {  	_ =	swait.ge [sflag:s31], $0x1F40  }
0x78: {  	[sflag:s31] =	ssyncset.done $0x0  }
0x79: {  	s23 =	sadd.s32 $0x280, s21;
	[sflag:s31] =	ssyncadd.s32 $0xFFFFE0C0  }
0x7a: {  	[tilespmem:s20], [sflag:$0x2] =	stream.indirect.gather [hbm4b:s1+s17], $0x40, s23, s17, $0xb8;
	[tilespmem:$0x1DD00] =	vst v63  }
0x7b: {  	_ =	swait.ge [sflag:s0], $0x1F40  }
0x7c: {  	[sflag:s0] =	ssyncset.done $0x0  }
.Ltmp1:
0x7d: {  	s23 =	sadd.s32 $0x300, s21;
	[sflag:s0] =	ssyncadd.s32 $0xFFFFE0C0;
	(pc) =	sbr.rel @p0 .LBB2_4-.Ltmp1, $4  }
0x7e: {  	[tilespmem:s22], [sflag:$0x3] =	stream.indirect.gather [hbm4b:s1+s17], $0x40, s23, s17, $0xb8;
	[tilespmem:$0x1DD00] =	vst v63  }
0x7f: {  	_ =	swait.ge [sflag:s2], $0x1F40  }
0x80: {  	[sflag:s2] =	ssyncset.done $0x0  }
0x81: {  	s21 =	sadd.s32 $0x380, s21;
	[sflag:s2] =	ssyncadd.s32 $0xFFFFE0C0  }
0x82: {  	[tilespmem:s24], [sflag:$0x4] =	stream.indirect.gather [hbm4b:s1+s17], $0x40, s21, s17, $0xb8;
	[tilespmem:$0x1DD00] =	vst v63  }
0x83: {  	_ =	swait.ge [sflag:s25], $0x1F40  }
0x84: {  	[sflag:s25] =	ssyncset.done $0x0  }
0x85: {  	s19 =	simm.s32 $0x9E00;
	[sflag:s25] =	ssyncadd.s32 $0xFFFFE0C0  }
0x86: {  	[spmem:s3] =	stream.indirect.scatter.add.f32 [tilespmem:s18], [sflag:$0x5], $0x40, s19, s17, $0xb8;
	[tilespmem:$0x1DD00] =	vst v63  }
0x87: {  	_ =	swait.ge [sflag:s26], $0x1F40  }
0x88: {  	[sflag:s26] =	ssyncset.done $0x0  }
0x89: {  	s23 =	simm.s32 $0x9E80;
	[sflag:s26] =	ssyncadd.s32 $0xFFFFE0C0  }
0x8a: {  	[spmem:s3] =	stream.indirect.scatter.add.f32 [tilespmem:s20], [sflag:$0x6], $0x40, s23, s17, $0xb8;
	[tilespmem:$0x1DD00] =	vst v63  }
0x8b: {  	_ =	swait.ge [sflag:s28], $0x1F40  }
0x8c: {  	[sflag:s28] =	ssyncset.done $0x0  }
0x8d: {  	s21 =	simm.s32 $0x9F00;
	[sflag:s28] =	ssyncadd.s32 $0xFFFFE0C0  }
0x8e: {  	[spmem:s3] =	stream.indirect.scatter.add.f32 [tilespmem:s22], [sflag:$0x7], $0x40, s21, s17, $0xb8;
	[tilespmem:$0x1DD00] =	vst v63  }
0x8f: {  	_ =	swait.ge [sflag:s29], $0x1F40  }
0x90: {  	[sflag:s29] =	ssyncset.done $0x0  }
0x91: {  	s23 =	simm.s32 $0x9F80;
	[sflag:s29] =	ssyncadd.s32 $0xFFFFE0C0  }
0x92: {  	[spmem:s3] =	stream.indirect.scatter.add.f32 [tilespmem:s24], [sflag:$0x8], $0x40, s23, s17, $0xb8;
	[tilespmem:$0x1DD00] =	vst v63  }
0x93: {  	_ =	swait.ge [sflag:s30], $0x1F40  }
0x94: {  	[sflag:s30] =	ssyncset.done $0x0  }
0x95: {  	[sflag:s30] =	ssyncadd.s32 $0xFFFFE0C0  }
0x96: {  	_ =	swait.ge [sflag:s31], $0x1F40  }
0x97: {  	[sflag:s31] =	ssyncset.done $0x0  }
0x98: {  	[sflag:s31] =	ssyncadd.s32 $0xFFFFE0C0  }
0x99: {  	_ =	swait.ge [sflag:s0], $0x1F40  }
0x9a: {  	[sflag:s0] =	ssyncset.done $0x0  }
0x9b: {  	[sflag:s0] =	ssyncadd.s32 $0xFFFFE0C0  }
0x9c: {  	s21 =	stileid.u32;
	_ =	swait.ge [sflag:s2], $0x1F40  }
0x9d: {  	s4 =	sadd.s32 $0x1, s4;
	s19 =	sshll.u32 s21, $0x6;
	[sflag:s2] =	ssyncset.done $0x0  }
0x9e: {  	p0 =	sne.s32 s4, s13;
	s19 =	sor.u32 $0x1C09, s19;
	[sflag:s2] =	ssyncadd.s32 $0xFFFFE0C0  }
.Ltmp2:
0x9f: {  	s23 =	sshrl.u32 s5, $0x3;
	[bflag:$0x0] =	sbarrier.arrive $0xFFFF;
	(pc) =	sbr.rel @p0 .LBB2_1-.Ltmp2, $4  }
0xa0: {  	[hbm:s12@s16], [sflag:s19] =	dma.strided [spmem:s23@s2], $0x1400, s25, $0x8   }
0xa1: {  	_ =	swait.ge [sflag:s15], $0x1400  }
0xa2: {  	[sflag:s15] =	ssyncset.done $0x0  }
0xa3: {  	[sflag:s15] =	ssyncadd.s32 $0xFFFFEC00  }
0xa4: {  	_ =	sfence.sel $0x180000  }
0xa5: {  	[bflag:$0x0] =	sbarrier.arrive $0xFFFF  }
0xa6: {  	_ =	strace $0x90000047  }
0xa7: {  	s0 =	stileid.u32;
	[bflag:$0x2] =	sbarrier.arrive $0xFFFF  }
0xa8: {  	p0 =	sne.s32 s0, $0x0;
	s0 =	rddreg [dreg:$0x4]  }
0xa9: {  	s0 =	sadd.s32 @!p0 $0x100000, s0  }
0xaa: {  	[sflag:s0] =	ssyncadd.tile.s32 @!p0 $0x1;
	_ =	shalt  }
.Lfunc_end2:
_tile_overlayer_lowered:
.L_overlay_start_2:
0xab: {  	(tag) =	ssettag $0x2  }
0xac: {  	s0 =	rddreg [dreg:$0x0];
	s2 =	stileid.u32  }
0xad: {  	s1 =	rddreg [dreg:$0x1];
	p0 =	sne.s32 s2, $0x0  }
0xae: {  	s3 =	rddreg [dreg:$0x2];
	[bflag:$0x3] =	sbarrier.arrive $0xFFFF;
	s2 =	simm.s32 @!p0 $0x1C09  }
0xaf: {  	[timem:s3], [sflag:s2] =	dma.local @!p0 [hbm:s0], s1  }
0xb0: {  	s0 =	simm.s32 @!p0 $0x9  }
0xb1: {  	_ =	swait.ge @!p0 [sflag:s0], s1  }
0xb2: {  	s1 =	ssub.s32 @!p0 $0x0, s1;
	[sflag:s0] =	ssyncset.done @!p0 $0x0  }
0xb3: {  	[sflag:s0] =	ssyncadd.s32 @!p0 s1  }
0xb4: {  	[bflag:$0x3] =	sbarrier.arrive $0xFFFF  }
0xb5: {  	_ =	shalt  }

</sc_bundles>
